<compile_context>
chip_gen: v7x
topology: tpu7x:2x2x1
jax: 0.10.2.dev20260603
libtpu: 0.0.44.dev20260713+nightly
codegen_flags: <defaults>
</compile_context>

<pallas_src>
import functools

import jax
import jax.numpy as jnp
from jax import lax
from jax.experimental import pallas as pl
from jax.experimental.pallas import tpu as pltpu
from jax.experimental.pallas import tpu_sc as plsc

_CH = 128
_NCHUNKS = 4


@functools.lru_cache(maxsize=None)
def _make_sc_gather(V: int, D: int, Nc: int, NC: int, NS: int):
    NW = NC * NS
    n_per_w = Nc // NW
    n_ch = n_per_w // _CH

    mesh = plsc.VectorSubcoreMesh(core_axis_name="c", subcore_axis_name="s")

    @functools.partial(
        pl.kernel,
        mesh=mesh,
        out_type=jax.ShapeDtypeStruct((Nc, 2 * D), jnp.float32),
        scratch_types=[
            pltpu.VMEM((n_ch, _CH), jnp.int32),
            pltpu.VMEM((_CH, 2 * D), jnp.float32),
            pltpu.VMEM((_CH, 2 * D), jnp.float32),
            pltpu.SemaphoreType.DMA,
            pltpu.SemaphoreType.DMA,
        ],
    )
    def gather_k(table_hbm, idx_hbm, out_hbm, idx_v, buf0, buf1, sem0, sem1):
        wid = lax.axis_index("s") * NC + lax.axis_index("c")
        base = wid * n_per_w
        pltpu.sync_copy(idx_hbm.at[wid], idx_v)
        bufs = (buf0, buf1)
        sems = (sem0, sem1)

        def issue(j, k):
            pltpu.async_copy(table_hbm.at[idx_v.at[j]], bufs[k], sems[k])

        def finish(j, k):
            pltpu.make_async_copy(
                table_hbm.at[idx_v.at[j]], bufs[k], sems[k]).wait()
            pltpu.sync_copy(bufs[k],
                            out_hbm.at[pl.ds(base + j * _CH, _CH)])

        issue(0, 0)

        def body(p, carry):
            j = 2 * p

            @pl.when(j + 1 < n_ch)
            def _():
                issue(j + 1, 1)

            finish(j, 0)

            @pl.when(j + 2 < n_ch)
            def _():
                issue(j + 2, 0)

            @pl.when(j + 1 < n_ch)
            def _():
                finish(j + 1, 1)

            return carry

        lax.fori_loop(0, (n_ch + 1) // 2, body, 0)

    return gather_k


def _tc_compute(g_ref, vcT_ref, Wc_ref, Wv_ref, bv_ref, bc_ref, gm_ref,
                bt_ref, o_ref):
    _, D, B = o_ref.shape
    f32 = jnp.float32
    u = lax.dot_general(Wv_ref[...], Wc_ref[..., D:],
                        (((0,), (1,)), ((), ())),
                        preferred_element_type=f32)
    eye = jnp.asarray(
        lax.broadcasted_iota(jnp.int32, (D, D), 0)
        == lax.broadcasted_iota(jnp.int32, (D, D), 1), f32)
    ones_db = jnp.ones((D, B), f32)
    dn = (((1,), (0,)), ((), ()))
    colmat = lambda row: lax.dot_general(eye * row, ones_db, dn,
                                         preferred_element_type=f32)
    ball_row = lax.dot_general(bv_ref[...], Wc_ref[..., D:],
                               (((1,), (1,)), ((), ())),
                               preferred_element_type=f32) + bc_ref[...]
    valT = lax.dot_general(u, vcT_ref[...], (((0,), (0,)), ((), ())),
                           preferred_element_type=f32)
    yT = (lax.dot_general(Wc_ref[..., :D], g_ref[..., :D],
                          (((1,), (1,)), ((), ())),
                          preferred_element_type=f32)
          + valT + colmat(ball_row))
    mu = jnp.mean(yT, axis=0, keepdims=True)
    yc = yT - mu
    var = jnp.mean(yc * yc, axis=0, keepdims=True)
    ycr = yc * lax.rsqrt(var + 1e-5)
    G1 = eye * gm_ref[...]
    o_ref[0] = (lax.dot_general(G1, ycr, dn, preferred_element_type=f32)
                + colmat(bt_ref[...]))


def _tc_body_first(g_ref, vcT_ref, Wc_ref, Wv_ref, bv_ref, bc_ref, gm_ref,
                   bt_ref, o_ref):
    _tc_compute(g_ref, vcT_ref, Wc_ref, Wv_ref, bv_ref, bc_ref, gm_ref,
                bt_ref, o_ref)


def _tc_body_chained(g_ref, vcT_ref, Wc_ref, Wv_ref, bv_ref, bc_ref, gm_ref,
                     bt_ref, prev_ref, o_ref):
    del prev_ref
    _tc_compute(g_ref, vcT_ref, Wc_ref, Wv_ref, bv_ref, bc_ref, gm_ref,
                bt_ref, o_ref)


def _dense_chunk(g_c, vcT, Wc, Wv, bv, bc, gamma, beta, B, T, D, c, Tc,
                 prev_out):
    steps = Tc
    grid = (steps,)
    small = lambda shp: pl.BlockSpec(shp, lambda i: tuple(0 for _ in shp))
    in_specs = [
        pl.BlockSpec((B, 2 * D), lambda i: (i, 0)),
        pl.BlockSpec((2, B), lambda i, c=c, s=steps: (0, c * s + i)),
        small(Wc.shape),
        small(Wv.shape),
        small((1, D)),
        small((1, D)),
        small((1, D)),
        small((1, D)),
    ]
    args = [g_c, vcT, Wc, Wv, bv.reshape(1, D), bc.reshape(1, D),
            gamma.reshape(1, D), beta.reshape(1, D)]
    if prev_out is None:
        body = _tc_body_first
        aliases = {}
    else:
        body = _tc_body_chained
        in_specs.append(pl.BlockSpec(memory_space=pl.ANY))
        args.append(prev_out)
        aliases = {8: 0}
    return pl.pallas_call(
        body,
        grid=grid,
        in_specs=in_specs,
        out_specs=pl.BlockSpec((1, D, B),
                               lambda i, c=c, s=steps: (c * s + i, 0, 0)),
        out_shape=jax.ShapeDtypeStruct((T, D, B), jnp.float32),
        input_output_aliases=aliases,
    )(*args)


def kernel(trait_values, trait_confidences, trait_indices, emb_table,
           Wv, bv, Wc, bc, gamma, beta):
    B, T = trait_values.shape
    V, D = emb_table.shape
    N = B * T
    info = plsc.get_sparse_core_info()
    NW = info.num_cores * info.num_subcores
    Tc = T // _NCHUNKS
    Nc = Tc * B
    table_pad = jnp.concatenate(
        [emb_table, jnp.zeros((V, D), jnp.float32)], axis=1)
    idxT = trait_indices.T.astype(jnp.int32)
    gk = _make_sc_gather(V, D, Nc, info.num_cores, info.num_subcores)
    gs = [
        gk(table_pad,
           idxT[c * Tc:(c + 1) * Tc].reshape(NW, Nc // (NW * _CH), _CH))
        for c in range(_NCHUNKS)
    ]
    vcT = jnp.stack(
        [trait_values.T.reshape(N), trait_confidences.T.reshape(N)], axis=0)
    out = None
    for c in range(_NCHUNKS):
        out = _dense_chunk(gs[c], vcT, Wc, Wv, bv, bc, gamma, beta,
                           B, T, D, c, Tc, out)
    return jnp.transpose(out, (2, 0, 1))

# --- scband reference (transcript-rebuilt; emitter-appended) ---
"""Pipeline reference for scband-simple-trait-embedding-79070347919745 (READ-ONLY COPY).

The authoritative reference and input builder live on the scoring server;
editing this copy changes nothing except your own understanding.
"""

import jax, jax.numpy as jnp
import numpy as np

B, T, V, D = 4096, 100, 100000, 64


def setup_inputs(seed: int = 0) -> dict:
    key = jax.random.key(seed)
    ks = jax.random.split(key, 8)
    trait_values = jax.random.normal(ks[0], (B, T), dtype=jnp.float32)
    trait_confidences = jax.random.uniform(ks[1], (B, T), dtype=jnp.float32)
    trait_indices = jax.random.randint(ks[2], (B, T), 0, V)
    emb_table = jax.random.normal(ks[3], (V, D), dtype=jnp.float32) * 0.02
    Wv = jax.random.normal(ks[4], (D, 2), dtype=jnp.float32) * 0.1
    bv = jnp.zeros((D,), dtype=jnp.float32)
    Wc = jax.random.normal(ks[5], (D, 2 * D), dtype=jnp.float32) * 0.05
    bc = jnp.zeros((D,), dtype=jnp.float32)
    gamma = jnp.ones((D,), dtype=jnp.float32)
    beta = jnp.zeros((D,), dtype=jnp.float32)
    return {
        "trait_values": trait_values,
        "trait_confidences": trait_confidences,
        "trait_indices": trait_indices,
        "emb_table": emb_table,
        "Wv": Wv,
        "bv": bv,
        "Wc": Wc,
        "bc": bc,
        "gamma": gamma,
        "beta": beta,
    }


def reference(trait_values, trait_confidences, trait_indices, emb_table, Wv, bv, Wc, bc, gamma, beta):
    # nn.Embedding lookup -> gather
    trait_type_embeddings = jnp.take(emb_table, trait_indices, axis=0)  # [B, T, D]
    # stack value/confidence along last dim -> [B, T, 2]
    value_conf = jnp.stack([trait_values, trait_confidences], axis=-1)
    # value_projection: Linear(2, D)
    value_embeddings = value_conf @ Wv.T + bv  # [B, T, D]
    # concat and combined_projection: Linear(2D, D)
    combined = jnp.concatenate([trait_type_embeddings, value_embeddings], axis=-1)  # [B, T, 2D]
    embedded = combined @ Wc.T + bc  # [B, T, D]
    # LayerNorm over last dim, eps=1e-5
    mu = jnp.mean(embedded, axis=-1, keepdims=True)
    var = jnp.var(embedded, axis=-1, keepdims=True)
    normed = (embedded - mu) / jnp.sqrt(var + 1e-5)
    return normed * gamma + beta

if __name__ == "__main__":
    import jax
    _d = setup_inputs()
    print(jax.jit(kernel)(*tuple(_d.values())))

</pallas_src>

<mosaic_0001>
#map = affine_map<(d0, d1) -> (0, 0)>
#map1 = affine_map<(d0, d1) -> (0, 0, 0)>
module attributes {stable_mosaic.version = 14 : i64} {
  func.func @gather_k(%arg0: i32, %arg1: i32, %arg2: memref<100000x128xf32, #tpu.memory_space<hbm>>, %arg3: memref<32x25x128xi32, #tpu.memory_space<hbm>>, %arg4: memref<102400x128xf32, #tpu.memory_space<hbm>>, %arg5: memref<25x128xi32, #tpu.memory_space<vmem>>, %arg6: memref<128x128xf32, #tpu.memory_space<vmem>>, %arg7: memref<128x128xf32, #tpu.memory_space<vmem>>, %arg8: memref<!tpu.dma_semaphore, #tpu.memory_space<semaphore_mem>>, %arg9: memref<!tpu.dma_semaphore, #tpu.memory_space<semaphore_mem>>) attributes {dimension_semantics = [#tpu.dimension_semantics<core_parallel>, #tpu.dimension_semantics<subcore_parallel>], iteration_bounds = array<i64: 2, 16>, scalar_prefetch = 0 : i64, scratch_operands = 5 : i64, tpu.core_type = #tpu.core_type<sc_vector_subcore>, window_params = [{transform_indices = #map}, {transform_indices = #map1}, {transform_indices = #map}]} {
    %mul3A = arith.constant 2 : i32
    %mul3A_0 = arith.muli %arg1, %mul3A : i32
    %add3A = arith.addi %mul3A_0, %arg0 : i32
    %mul3A_1 = arith.constant 3200 : i32
    %mul3A_2 = arith.muli %add3A, %mul3A_1 : i32
    "tpu.region"() ({
      %run_scoped3A = tpu.sem_alloc : memref<!tpu.dma_semaphore, #tpu.memory_space<semaphore_mem>>
      %dma_start3A_14 = arith.constant 0 : i32
      %dma_start3A_15 = arith.constant 0 : i32
      %dma_start3A_16 = tpu.memref_slice %arg3[%add3A, %dma_start3A_14, %dma_start3A_15] : memref<32x25x128xi32, #tpu.memory_space<hbm>> -> memref<1x25x128xi32, #tpu.memory_space<hbm>>
      %dma_start3A_17 = tpu.memref_squeeze %dma_start3A_16 : memref<1x25x128xi32, #tpu.memory_space<hbm>> -> memref<25x128xi32, #tpu.memory_space<hbm>>
      %dma_start3A_18 = arith.constant 0 : i32
      %dma_start3A_19 = arith.constant 0 : i32
      %dma_start3A_20 = tpu.memref_slice %arg3[%add3A, %dma_start3A_18, %dma_start3A_19] : memref<32x25x128xi32, #tpu.memory_space<hbm>> -> memref<1x25x128xi32, #tpu.memory_space<hbm>>
      %dma_start3A_21 = tpu.memref_squeeze %dma_start3A_20 : memref<1x25x128xi32, #tpu.memory_space<hbm>> -> memref<25x128xi32, #tpu.memory_space<hbm>>
      tpu.enqueue_dma source(%dma_start3A_21 : memref<25x128xi32, #tpu.memory_space<hbm>>) target(%arg5 : memref<25x128xi32, #tpu.memory_space<vmem>>) target_semaphore(%run_scoped3A : memref<!tpu.dma_semaphore, #tpu.memory_space<semaphore_mem>>)
      %dma_wait3A = arith.constant 0 : i32
      %dma_wait3A_22 = arith.constant 0 : i32
      %dma_wait3A_23 = tpu.memref_slice %arg3[%add3A, %dma_wait3A, %dma_wait3A_22] : memref<32x25x128xi32, #tpu.memory_space<hbm>> -> memref<1x25x128xi32, #tpu.memory_space<hbm>>
      %dma_wait3A_24 = tpu.memref_squeeze %dma_wait3A_23 : memref<1x25x128xi32, #tpu.memory_space<hbm>> -> memref<25x128xi32, #tpu.memory_space<hbm>>
      %dma_wait3A_25 = arith.constant 0 : i32
      %dma_wait3A_26 = arith.constant 0 : i32
      %dma_wait3A_27 = tpu.memref_slice %arg3[%add3A, %dma_wait3A_25, %dma_wait3A_26] : memref<32x25x128xi32, #tpu.memory_space<hbm>> -> memref<1x25x128xi32, #tpu.memory_space<hbm>>
      %dma_wait3A_28 = tpu.memref_squeeze %dma_wait3A_27 : memref<1x25x128xi32, #tpu.memory_space<hbm>> -> memref<25x128xi32, #tpu.memory_space<hbm>>
      tpu.wait_dma2 semaphore(%run_scoped3A : memref<!tpu.dma_semaphore, #tpu.memory_space<semaphore_mem>>) src(%dma_wait3A_28 : memref<25x128xi32, #tpu.memory_space<hbm>>) dst(%arg5 : memref<25x128xi32, #tpu.memory_space<vmem>>)
      tpu.yield
    }) : () -> ()
    %dma_start3A = arith.constant 0 : i32
    %dma_start3A_3 = arith.constant 0 : i32
    %dma_start3A_4 = tpu.memref_slice %arg5[%dma_start3A, %dma_start3A_3] : memref<25x128xi32, #tpu.memory_space<vmem>> -> memref<1x128xi32, #tpu.memory_space<vmem>>
    %dma_start3A_5 = tpu.memref_squeeze %dma_start3A_4 : memref<1x128xi32, #tpu.memory_space<vmem>> -> memref<128xi32, #tpu.memory_space<vmem>>
    %dma_start3A_6 = arith.constant 0 : i32
    %dma_start3A_7 = arith.constant 0 : i32
    %dma_start3A_8 = tpu.memref_slice %arg2[%dma_start3A_6, %dma_start3A_7] : memref<100000x128xf32, #tpu.memory_space<hbm>> -> memref<100000x128xf32, #tpu.memory_space<hbm>>
    tpu.enqueue_indirect_dma source(%dma_start3A_8 : memref<100000x128xf32, #tpu.memory_space<hbm>>) target(%arg6 : memref<128x128xf32, #tpu.memory_space<vmem>>) offsets(%dma_start3A_5 : memref<128xi32, #tpu.memory_space<vmem>>) semaphore(%arg8 : memref<!tpu.dma_semaphore, #tpu.memory_space<semaphore_mem>>)
    %scan3A = arith.constant 0 : i32
    %scan3A_9 = arith.constant 0 : i32
    %scan3A_10 = arith.constant 13 : i32
    %scan3A_11 = arith.addi %scan3A_9, %scan3A_10 : i32
    %scan3A_12 = arith.constant 1 : i32
    scf.for %scan3A_14 = %scan3A_9 to %scan3A_11 step %scan3A_12  : i32 {
      %mul3A_15 = arith.constant 2 : i32
      %mul3A_16 = arith.muli %mul3A_15, %scan3A_14 : i32
      %add3A_17 = arith.constant 1 : i32
      %add3A_18 = arith.addi %mul3A_16, %add3A_17 : i32
      %lt3A = arith.constant 25 : i32
      %lt3A_19 = arith.cmpi slt, %add3A_18, %lt3A : i32
      %convert_element_type3A = arith.extui %lt3A_19 : i1 to i32
      %cond3A = arith.constant 0 : i32
      %cond3A_20 = arith.cmpi ne, %convert_element_type3A, %cond3A : i32
      scf.if %cond3A_20 {
        %add3A_43 = arith.constant 1 : i32
        %add3A_44 = arith.addi %mul3A_16, %add3A_43 : i32
        %dma_start3A_45 = arith.constant 0 : i32
        %dma_start3A_46 = tpu.memref_slice %arg5[%add3A_44, %dma_start3A_45] : memref<25x128xi32, #tpu.memory_space<vmem>> -> memref<1x128xi32, #tpu.memory_space<vmem>>
        %dma_start3A_47 = tpu.memref_squeeze %dma_start3A_46 : memref<1x128xi32, #tpu.memory_space<vmem>> -> memref<128xi32, #tpu.memory_space<vmem>>
        %dma_start3A_48 = arith.constant 0 : i32
        %dma_start3A_49 = arith.constant 0 : i32
        %dma_start3A_50 = tpu.memref_slice %arg2[%dma_start3A_48, %dma_start3A_49] : memref<100000x128xf32, #tpu.memory_space<hbm>> -> memref<100000x128xf32, #tpu.memory_space<hbm>>
        tpu.enqueue_indirect_dma source(%dma_start3A_50 : memref<100000x128xf32, #tpu.memory_space<hbm>>) target(%arg7 : memref<128x128xf32, #tpu.memory_space<vmem>>) offsets(%dma_start3A_47 : memref<128xi32, #tpu.memory_space<vmem>>) semaphore(%arg9 : memref<!tpu.dma_semaphore, #tpu.memory_space<semaphore_mem>>)
      } else {
      }
      %dma_wait3A = arith.constant 0 : i32
      %dma_wait3A_21 = tpu.memref_slice %arg5[%mul3A_16, %dma_wait3A] : memref<25x128xi32, #tpu.memory_space<vmem>> -> memref<1x128xi32, #tpu.memory_space<vmem>>
      %dma_wait3A_22 = tpu.memref_squeeze %dma_wait3A_21 : memref<1x128xi32, #tpu.memory_space<vmem>> -> memref<128xi32, #tpu.memory_space<vmem>>
      %dma_wait3A_23 = arith.constant 0 : i32
      %dma_wait3A_24 = arith.constant 0 : i32
      %dma_wait3A_25 = tpu.memref_slice %arg2[%dma_wait3A_23, %dma_wait3A_24] : memref<100000x128xf32, #tpu.memory_space<hbm>> -> memref<100000x128xf32, #tpu.memory_space<hbm>>
      tpu.wait_indirect_dma semaphore(%arg8 : memref<!tpu.dma_semaphore, #tpu.memory_space<semaphore_mem>>) src(%dma_wait3A_25 : memref<100000x128xf32, #tpu.memory_space<hbm>>) dst(%arg6 : memref<128x128xf32, #tpu.memory_space<vmem>>)
      %mul3A_26 = arith.constant 128 : i32
      %mul3A_27 = arith.muli %mul3A_16, %mul3A_26 : i32
      %add3A_28 = arith.addi %mul3A_2, %mul3A_27 : i32
      "tpu.region"() ({
        %run_scoped3A = tpu.sem_alloc : memref<!tpu.dma_semaphore, #tpu.memory_space<semaphore_mem>>
        %dma_start3A_43 = arith.constant 0 : i32
        %dma_start3A_44 = tpu.memref_slice %arg4[%add3A_28, %dma_start3A_43] : memref<102400x128xf32, #tpu.memory_space<hbm>> -> memref<128x128xf32, #tpu.memory_space<hbm>>
        %dma_start3A_45 = arith.constant 0 : i32
        %dma_start3A_46 = tpu.memref_slice %arg4[%add3A_28, %dma_start3A_45] : memref<102400x128xf32, #tpu.memory_space<hbm>> -> memref<128x128xf32, #tpu.memory_space<hbm>>
        tpu.enqueue_dma source(%arg6 : memref<128x128xf32, #tpu.memory_space<vmem>>) target(%dma_start3A_46 : memref<128x128xf32, #tpu.memory_space<hbm>>) target_semaphore(%run_scoped3A : memref<!tpu.dma_semaphore, #tpu.memory_space<semaphore_mem>>)
        %dma_wait3A_47 = arith.constant 0 : i32
        %dma_wait3A_48 = tpu.memref_slice %arg4[%add3A_28, %dma_wait3A_47] : memref<102400x128xf32, #tpu.memory_space<hbm>> -> memref<128x128xf32, #tpu.memory_space<hbm>>
        %dma_wait3A_49 = arith.constant 0 : i32
        %dma_wait3A_50 = tpu.memref_slice %arg4[%add3A_28, %dma_wait3A_49] : memref<102400x128xf32, #tpu.memory_space<hbm>> -> memref<128x128xf32, #tpu.memory_space<hbm>>
        tpu.wait_dma2 semaphore(%run_scoped3A : memref<!tpu.dma_semaphore, #tpu.memory_space<semaphore_mem>>) src(%arg6 : memref<128x128xf32, #tpu.memory_space<vmem>>) dst(%dma_wait3A_50 : memref<128x128xf32, #tpu.memory_space<hbm>>)
        tpu.yield
      }) : () -> ()
      %add3A_29 = arith.constant 2 : i32
      %add3A_30 = arith.addi %mul3A_16, %add3A_29 : i32
      %lt3A_31 = arith.constant 25 : i32
      %lt3A_32 = arith.cmpi slt, %add3A_30, %lt3A_31 : i32
      %convert_element_type3A_33 = arith.extui %lt3A_32 : i1 to i32
      %cond3A_34 = arith.constant 0 : i32
      %cond3A_35 = arith.cmpi ne, %convert_element_type3A_33, %cond3A_34 : i32
      scf.if %cond3A_35 {
        %add3A_43 = arith.constant 2 : i32
        %add3A_44 = arith.addi %mul3A_16, %add3A_43 : i32
        %dma_start3A_45 = arith.constant 0 : i32
        %dma_start3A_46 = tpu.memref_slice %arg5[%add3A_44, %dma_start3A_45] : memref<25x128xi32, #tpu.memory_space<vmem>> -> memref<1x128xi32, #tpu.memory_space<vmem>>
        %dma_start3A_47 = tpu.memref_squeeze %dma_start3A_46 : memref<1x128xi32, #tpu.memory_space<vmem>> -> memref<128xi32, #tpu.memory_space<vmem>>
        %dma_start3A_48 = arith.constant 0 : i32
        %dma_start3A_49 = arith.constant 0 : i32
        %dma_start3A_50 = tpu.memref_slice %arg2[%dma_start3A_48, %dma_start3A_49] : memref<100000x128xf32, #tpu.memory_space<hbm>> -> memref<100000x128xf32, #tpu.memory_space<hbm>>
        tpu.enqueue_indirect_dma source(%dma_start3A_50 : memref<100000x128xf32, #tpu.memory_space<hbm>>) target(%arg6 : memref<128x128xf32, #tpu.memory_space<vmem>>) offsets(%dma_start3A_47 : memref<128xi32, #tpu.memory_space<vmem>>) semaphore(%arg8 : memref<!tpu.dma_semaphore, #tpu.memory_space<semaphore_mem>>)
      } else {
      }
      %add3A_36 = arith.constant 1 : i32
      %add3A_37 = arith.addi %mul3A_16, %add3A_36 : i32
      %lt3A_38 = arith.constant 25 : i32
      %lt3A_39 = arith.cmpi slt, %add3A_37, %lt3A_38 : i32
      %convert_element_type3A_40 = arith.extui %lt3A_39 : i1 to i32
      %cond3A_41 = arith.constant 0 : i32
      %cond3A_42 = arith.cmpi ne, %convert_element_type3A_40, %cond3A_41 : i32
      scf.if %cond3A_42 {
        %add3A_43 = arith.constant 1 : i32
        %add3A_44 = arith.addi %mul3A_16, %add3A_43 : i32
        %dma_wait3A_45 = arith.constant 0 : i32
        %dma_wait3A_46 = tpu.memref_slice %arg5[%add3A_44, %dma_wait3A_45] : memref<25x128xi32, #tpu.memory_space<vmem>> -> memref<1x128xi32, #tpu.memory_space<vmem>>
        %dma_wait3A_47 = tpu.memref_squeeze %dma_wait3A_46 : memref<1x128xi32, #tpu.memory_space<vmem>> -> memref<128xi32, #tpu.memory_space<vmem>>
        %dma_wait3A_48 = arith.constant 0 : i32
        %dma_wait3A_49 = arith.constant 0 : i32
        %dma_wait3A_50 = tpu.memref_slice %arg2[%dma_wait3A_48, %dma_wait3A_49] : memref<100000x128xf32, #tpu.memory_space<hbm>> -> memref<100000x128xf32, #tpu.memory_space<hbm>>
        tpu.wait_indirect_dma semaphore(%arg9 : memref<!tpu.dma_semaphore, #tpu.memory_space<semaphore_mem>>) src(%dma_wait3A_50 : memref<100000x128xf32, #tpu.memory_space<hbm>>) dst(%arg7 : memref<128x128xf32, #tpu.memory_space<vmem>>)
        %mul3A_51 = arith.constant 128 : i32
        %mul3A_52 = arith.muli %add3A_44, %mul3A_51 : i32
        %add3A_53 = arith.addi %mul3A_2, %mul3A_52 : i32
        "tpu.region"() ({
          %run_scoped3A = tpu.sem_alloc : memref<!tpu.dma_semaphore, #tpu.memory_space<semaphore_mem>>
          %dma_start3A_54 = arith.constant 0 : i32
          %dma_start3A_55 = tpu.memref_slice %arg4[%add3A_53, %dma_start3A_54] : memref<102400x128xf32, #tpu.memory_space<hbm>> -> memref<128x128xf32, #tpu.memory_space<hbm>>
          %dma_start3A_56 = arith.constant 0 : i32
          %dma_start3A_57 = tpu.memref_slice %arg4[%add3A_53, %dma_start3A_56] : memref<102400x128xf32, #tpu.memory_space<hbm>> -> memref<128x128xf32, #tpu.memory_space<hbm>>
          tpu.enqueue_dma source(%arg7 : memref<128x128xf32, #tpu.memory_space<vmem>>) target(%dma_start3A_57 : memref<128x128xf32, #tpu.memory_space<hbm>>) target_semaphore(%run_scoped3A : memref<!tpu.dma_semaphore, #tpu.memory_space<semaphore_mem>>)
          %dma_wait3A_58 = arith.constant 0 : i32
          %dma_wait3A_59 = tpu.memref_slice %arg4[%add3A_53, %dma_wait3A_58] : memref<102400x128xf32, #tpu.memory_space<hbm>> -> memref<128x128xf32, #tpu.memory_space<hbm>>
          %dma_wait3A_60 = arith.constant 0 : i32
          %dma_wait3A_61 = tpu.memref_slice %arg4[%add3A_53, %dma_wait3A_60] : memref<102400x128xf32, #tpu.memory_space<hbm>> -> memref<128x128xf32, #tpu.memory_space<hbm>>
          tpu.wait_dma2 semaphore(%run_scoped3A : memref<!tpu.dma_semaphore, #tpu.memory_space<semaphore_mem>>) src(%arg7 : memref<128x128xf32, #tpu.memory_space<vmem>>) dst(%dma_wait3A_61 : memref<128x128xf32, #tpu.memory_space<hbm>>)
          tpu.yield
        }) : () -> ()
      } else {
      }
    }
    %scan3A_13 = arith.constant 13 : i32
    return
  }
}

#map = affine_map<(d0, d1) -> (0, 0)>
#map1 = affine_map<(d0, d1) -> (0, 0, 0)>
module attributes {stable_mosaic.version = 14 : i64} {
  func.func @gather_k(%arg0: i32, %arg1: i32, %arg2: memref<100000x128xf32, #tpu.memory_space<hbm>>, %arg3: memref<32x25x128xi32, #tpu.memory_space<hbm>>, %arg4: memref<102400x128xf32, #tpu.memory_space<hbm>>, %arg5: memref<25x128xi32, #tpu.memory_space<vmem>>, %arg6: memref<128x128xf32, #tpu.memory_space<vmem>>, %arg7: memref<128x128xf32, #tpu.memory_space<vmem>>, %arg8: memref<!tpu.dma_semaphore, #tpu.memory_space<semaphore_mem>>, %arg9: memref<!tpu.dma_semaphore, #tpu.memory_space<semaphore_mem>>) attributes {dimension_semantics = [#tpu.dimension_semantics<core_parallel>, #tpu.dimension_semantics<subcore_parallel>], iteration_bounds = array<i64: 2, 16>, scalar_prefetch = 0 : i64, scratch_operands = 5 : i64, tpu.core_type = #tpu.core_type<sc_vector_subcore>, window_params = [{transform_indices = #map}, {transform_indices = #map1}, {transform_indices = #map}]} {
    %mul3A = arith.constant 2 : i32
    %mul3A_0 = arith.muli %arg1, %mul3A : i32
    %add3A = arith.addi %mul3A_0, %arg0 : i32
    %mul3A_1 = arith.constant 3200 : i32
    %mul3A_2 = arith.muli %add3A, %mul3A_1 : i32
    "tpu.region"() ({
      %run_scoped3A = tpu.sem_alloc : memref<!tpu.dma_semaphore, #tpu.memory_space<semaphore_mem>>
      %dma_start3A_14 = arith.constant 0 : i32
      %dma_start3A_15 = arith.constant 0 : i32
      %dma_start3A_16 = tpu.memref_slice %arg3[%add3A, %dma_start3A_14, %dma_start3A_15] : memref<32x25x128xi32, #tpu.memory_space<hbm>> -> memref<1x25x128xi32, #tpu.memory_space<hbm>>
      %dma_start3A_17 = tpu.memref_squeeze %dma_start3A_16 : memref<1x25x128xi32, #tpu.memory_space<hbm>> -> memref<25x128xi32, #tpu.memory_space<hbm>>
      %dma_start3A_18 = arith.constant 0 : i32
      %dma_start3A_19 = arith.constant 0 : i32
      %dma_start3A_20 = tpu.memref_slice %arg3[%add3A, %dma_start3A_18, %dma_start3A_19] : memref<32x25x128xi32, #tpu.memory_space<hbm>> -> memref<1x25x128xi32, #tpu.memory_space<hbm>>
      %dma_start3A_21 = tpu.memref_squeeze %dma_start3A_20 : memref<1x25x128xi32, #tpu.memory_space<hbm>> -> memref<25x128xi32, #tpu.memory_space<hbm>>
      tpu.enqueue_dma source(%dma_start3A_21 : memref<25x128xi32, #tpu.memory_space<hbm>>) target(%arg5 : memref<25x128xi32, #tpu.memory_space<vmem>>) target_semaphore(%run_scoped3A : memref<!tpu.dma_semaphore, #tpu.memory_space<semaphore_mem>>)
      %dma_wait3A = arith.constant 0 : i32
      %dma_wait3A_22 = arith.constant 0 : i32
      %dma_wait3A_23 = tpu.memref_slice %arg3[%add3A, %dma_wait3A, %dma_wait3A_22] : memref<32x25x128xi32, #tpu.memory_space<hbm>> -> memref<1x25x128xi32, #tpu.memory_space<hbm>>
      %dma_wait3A_24 = tpu.memref_squeeze %dma_wait3A_23 : memref<1x25x128xi32, #tpu.memory_space<hbm>> -> memref<25x128xi32, #tpu.memory_space<hbm>>
      %dma_wait3A_25 = arith.constant 0 : i32
      %dma_wait3A_26 = arith.constant 0 : i32
      %dma_wait3A_27 = tpu.memref_slice %arg3[%add3A, %dma_wait3A_25, %dma_wait3A_26] : memref<32x25x128xi32, #tpu.memory_space<hbm>> -> memref<1x25x128xi32, #tpu.memory_space<hbm>>
      %dma_wait3A_28 = tpu.memref_squeeze %dma_wait3A_27 : memref<1x25x128xi32, #tpu.memory_space<hbm>> -> memref<25x128xi32, #tpu.memory_space<hbm>>
      tpu.wait_dma2 semaphore(%run_scoped3A : memref<!tpu.dma_semaphore, #tpu.memory_space<semaphore_mem>>) src(%dma_wait3A_28 : memref<25x128xi32, #tpu.memory_space<hbm>>) dst(%arg5 : memref<25x128xi32, #tpu.memory_space<vmem>>)
      tpu.yield
    }) : () -> ()
    %dma_start3A = arith.constant 0 : i32
    %dma_start3A_3 = arith.constant 0 : i32
    %dma_start3A_4 = tpu.memref_slice %arg5[%dma_start3A, %dma_start3A_3] : memref<25x128xi32, #tpu.memory_space<vmem>> -> memref<1x128xi32, #tpu.memory_space<vmem>>
    %dma_start3A_5 = tpu.memref_squeeze %dma_start3A_4 : memref<1x128xi32, #tpu.memory_space<vmem>> -> memref<128xi32, #tpu.memory_space<vmem>>
    %dma_start3A_6 = arith.constant 0 : i32
    %dma_start3A_7 = arith.constant 0 : i32
    %dma_start3A_8 = tpu.memref_slice %arg2[%dma_start3A_6, %dma_start3A_7] : memref<100000x128xf32, #tpu.memory_space<hbm>> -> memref<100000x128xf32, #tpu.memory_space<hbm>>
    tpu.enqueue_indirect_dma source(%dma_start3A_8 : memref<100000x128xf32, #tpu.memory_space<hbm>>) target(%arg6 : memref<128x128xf32, #tpu.memory_space<vmem>>) offsets(%dma_start3A_5 : memref<128xi32, #tpu.memory_space<vmem>>) semaphore(%arg8 : memref<!tpu.dma_semaphore, #tpu.memory_space<semaphore_mem>>)
    %scan3A = arith.constant 0 : i32
    %scan3A_9 = arith.constant 0 : i32
    %scan3A_10 = arith.constant 13 : i32
    %scan3A_11 = arith.addi %scan3A_9, %scan3A_10 : i32
    %scan3A_12 = arith.constant 1 : i32
    scf.for %scan3A_14 = %scan3A_9 to %scan3A_11 step %scan3A_12  : i32 {
      %mul3A_15 = arith.constant 2 : i32
      %mul3A_16 = arith.muli %mul3A_15, %scan3A_14 : i32
      %add3A_17 = arith.constant 1 : i32
      %add3A_18 = arith.addi %mul3A_16, %add3A_17 : i32
      %lt3A = arith.constant 25 : i32
      %lt3A_19 = arith.cmpi slt, %add3A_18, %lt3A : i32
      %convert_element_type3A = arith.extui %lt3A_19 : i1 to i32
      %cond3A = arith.constant 0 : i32
      %cond3A_20 = arith.cmpi ne, %convert_element_type3A, %cond3A : i32
      scf.if %cond3A_20 {
        %add3A_43 = arith.constant 1 : i32
        %add3A_44 = arith.addi %mul3A_16, %add3A_43 : i32
        %dma_start3A_45 = arith.constant 0 : i32
        %dma_start3A_46 = tpu.memref_slice %arg5[%add3A_44, %dma_start3A_45] : memref<25x128xi32, #tpu.memory_space<vmem>> -> memref<1x128xi32, #tpu.memory_space<vmem>>
        %dma_start3A_47 = tpu.memref_squeeze %dma_start3A_46 : memref<1x128xi32, #tpu.memory_space<vmem>> -> memref<128xi32, #tpu.memory_space<vmem>>
        %dma_start3A_48 = arith.constant 0 : i32
        %dma_start3A_49 = arith.constant 0 : i32
        %dma_start3A_50 = tpu.memref_slice %arg2[%dma_start3A_48, %dma_start3A_49] : memref<100000x128xf32, #tpu.memory_space<hbm>> -> memref<100000x128xf32, #tpu.memory_space<hbm>>
        tpu.enqueue_indirect_dma source(%dma_start3A_50 : memref<100000x128xf32, #tpu.memory_space<hbm>>) target(%arg7 : memref<128x128xf32, #tpu.memory_space<vmem>>) offsets(%dma_start3A_47 : memref<128xi32, #tpu.memory_space<vmem>>) semaphore(%arg9 : memref<!tpu.dma_semaphore, #tpu.memory_space<semaphore_mem>>)
      } else {
      }
      %dma_wait3A = arith.constant 0 : i32
      %dma_wait3A_21 = tpu.memref_slice %arg5[%mul3A_16, %dma_wait3A] : memref<25x128xi32, #tpu.memory_space<vmem>> -> memref<1x128xi32, #tpu.memory_space<vmem>>
      %dma_wait3A_22 = tpu.memref_squeeze %dma_wait3A_21 : memref<1x128xi32, #tpu.memory_space<vmem>> -> memref<128xi32, #tpu.memory_space<vmem>>
      %dma_wait3A_23 = arith.constant 0 : i32
      %dma_wait3A_24 = arith.constant 0 : i32
      %dma_wait3A_25 = tpu.memref_slice %arg2[%dma_wait3A_23, %dma_wait3A_24] : memref<100000x128xf32, #tpu.memory_space<hbm>> -> memref<100000x128xf32, #tpu.memory_space<hbm>>
      tpu.wait_indirect_dma semaphore(%arg8 : memref<!tpu.dma_semaphore, #tpu.memory_space<semaphore_mem>>) src(%dma_wait3A_25 : memref<100000x128xf32, #tpu.memory_space<hbm>>) dst(%arg6 : memref<128x128xf32, #tpu.memory_space<vmem>>)
      %mul3A_26 = arith.constant 128 : i32
      %mul3A_27 = arith.muli %mul3A_16, %mul3A_26 : i32
      %add3A_28 = arith.addi %mul3A_2, %mul3A_27 : i32
      "tpu.region"() ({
        %run_scoped3A = tpu.sem_alloc : memref<!tpu.dma_semaphore, #tpu.memory_space<semaphore_mem>>
        %dma_start3A_43 = arith.constant 0 : i32
        %dma_start3A_44 = tpu.memref_slice %arg4[%add3A_28, %dma_start3A_43] : memref<102400x128xf32, #tpu.memory_space<hbm>> -> memref<128x128xf32, #tpu.memory_space<hbm>>
        %dma_start3A_45 = arith.constant 0 : i32
        %dma_start3A_46 = tpu.memref_slice %arg4[%add3A_28, %dma_start3A_45] : memref<102400x128xf32, #tpu.memory_space<hbm>> -> memref<128x128xf32, #tpu.memory_space<hbm>>
        tpu.enqueue_dma source(%arg6 : memref<128x128xf32, #tpu.memory_space<vmem>>) target(%dma_start3A_46 : memref<128x128xf32, #tpu.memory_space<hbm>>) target_semaphore(%run_scoped3A : memref<!tpu.dma_semaphore, #tpu.memory_space<semaphore_mem>>)
        %dma_wait3A_47 = arith.constant 0 : i32
        %dma_wait3A_48 = tpu.memref_slice %arg4[%add3A_28, %dma_wait3A_47] : memref<102400x128xf32, #tpu.memory_space<hbm>> -> memref<128x128xf32, #tpu.memory_space<hbm>>
        %dma_wait3A_49 = arith.constant 0 : i32
        %dma_wait3A_50 = tpu.memref_slice %arg4[%add3A_28, %dma_wait3A_49] : memref<102400x128xf32, #tpu.memory_space<hbm>> -> memref<128x128xf32, #tpu.memory_space<hbm>>
        tpu.wait_dma2 semaphore(%run_scoped3A : memref<!tpu.dma_semaphore, #tpu.memory_space<semaphore_mem>>) src(%arg6 : memref<128x128xf32, #tpu.memory_space<vmem>>) dst(%dma_wait3A_50 : memref<128x128xf32, #tpu.memory_space<hbm>>)
        tpu.yield
      }) : () -> ()
      %add3A_29 = arith.constant 2 : i32
      %add3A_30 = arith.addi %mul3A_16, %add3A_29 : i32
      %lt3A_31 = arith.constant 25 : i32
      %lt3A_32 = arith.cmpi slt, %add3A_30, %lt3A_31 : i32
      %convert_element_type3A_33 = arith.extui %lt3A_32 : i1 to i32
      %cond3A_34 = arith.constant 0 : i32
      %cond3A_35 = arith.cmpi ne, %convert_element_type3A_33, %cond3A_34 : i32
      scf.if %cond3A_35 {
        %add3A_43 = arith.constant 2 : i32
        %add3A_44 = arith.addi %mul3A_16, %add3A_43 : i32
        %dma_start3A_45 = arith.constant 0 : i32
        %dma_start3A_46 = tpu.memref_slice %arg5[%add3A_44, %dma_start3A_45] : memref<25x128xi32, #tpu.memory_space<vmem>> -> memref<1x128xi32, #tpu.memory_space<vmem>>
        %dma_start3A_47 = tpu.memref_squeeze %dma_start3A_46 : memref<1x128xi32, #tpu.memory_space<vmem>> -> memref<128xi32, #tpu.memory_space<vmem>>
        %dma_start3A_48 = arith.constant 0 : i32
        %dma_start3A_49 = arith.constant 0 : i32
        %dma_start3A_50 = tpu.memref_slice %arg2[%dma_start3A_48, %dma_start3A_49] : memref<100000x128xf32, #tpu.memory_space<hbm>> -> memref<100000x128xf32, #tpu.memory_space<hbm>>
        tpu.enqueue_indirect_dma source(%dma_start3A_50 : memref<100000x128xf32, #tpu.memory_space<hbm>>) target(%arg6 : memref<128x128xf32, #tpu.memory_space<vmem>>) offsets(%dma_start3A_47 : memref<128xi32, #tpu.memory_space<vmem>>) semaphore(%arg8 : memref<!tpu.dma_semaphore, #tpu.memory_space<semaphore_mem>>)
      } else {
      }
      %add3A_36 = arith.constant 1 : i32
      %add3A_37 = arith.addi %mul3A_16, %add3A_36 : i32
      %lt3A_38 = arith.constant 25 : i32
      %lt3A_39 = arith.cmpi slt, %add3A_37, %lt3A_38 : i32
      %convert_element_type3A_40 = arith.extui %lt3A_39 : i1 to i32
      %cond3A_41 = arith.constant 0 : i32
      %cond3A_42 = arith.cmpi ne, %convert_element_type3A_40, %cond3A_41 : i32
      scf.if %cond3A_42 {
        %add3A_43 = arith.constant 1 : i32
        %add3A_44 = arith.addi %mul3A_16, %add3A_43 : i32
        %dma_wait3A_45 = arith.constant 0 : i32
        %dma_wait3A_46 = tpu.memref_slice %arg5[%add3A_44, %dma_wait3A_45] : memref<25x128xi32, #tpu.memory_space<vmem>> -> memref<1x128xi32, #tpu.memory_space<vmem>>
        %dma_wait3A_47 = tpu.memref_squeeze %dma_wait3A_46 : memref<1x128xi32, #tpu.memory_space<vmem>> -> memref<128xi32, #tpu.memory_space<vmem>>
        %dma_wait3A_48 = arith.constant 0 : i32
        %dma_wait3A_49 = arith.constant 0 : i32
        %dma_wait3A_50 = tpu.memref_slice %arg2[%dma_wait3A_48, %dma_wait3A_49] : memref<100000x128xf32, #tpu.memory_space<hbm>> -> memref<100000x128xf32, #tpu.memory_space<hbm>>
        tpu.wait_indirect_dma semaphore(%arg9 : memref<!tpu.dma_semaphore, #tpu.memory_space<semaphore_mem>>) src(%dma_wait3A_50 : memref<100000x128xf32, #tpu.memory_space<hbm>>) dst(%arg7 : memref<128x128xf32, #tpu.memory_space<vmem>>)
        %mul3A_51 = arith.constant 128 : i32
        %mul3A_52 = arith.muli %add3A_44, %mul3A_51 : i32
        %add3A_53 = arith.addi %mul3A_2, %mul3A_52 : i32
        "tpu.region"() ({
          %run_scoped3A = tpu.sem_alloc : memref<!tpu.dma_semaphore, #tpu.memory_space<semaphore_mem>>
          %dma_start3A_54 = arith.constant 0 : i32
          %dma_start3A_55 = tpu.memref_slice %arg4[%add3A_53, %dma_start3A_54] : memref<102400x128xf32, #tpu.memory_space<hbm>> -> memref<128x128xf32, #tpu.memory_space<hbm>>
          %dma_start3A_56 = arith.constant 0 : i32
          %dma_start3A_57 = tpu.memref_slice %arg4[%add3A_53, %dma_start3A_56] : memref<102400x128xf32, #tpu.memory_space<hbm>> -> memref<128x128xf32, #tpu.memory_space<hbm>>
          tpu.enqueue_dma source(%arg7 : memref<128x128xf32, #tpu.memory_space<vmem>>) target(%dma_start3A_57 : memref<128x128xf32, #tpu.memory_space<hbm>>) target_semaphore(%run_scoped3A : memref<!tpu.dma_semaphore, #tpu.memory_space<semaphore_mem>>)
          %dma_wait3A_58 = arith.constant 0 : i32
          %dma_wait3A_59 = tpu.memref_slice %arg4[%add3A_53, %dma_wait3A_58] : memref<102400x128xf32, #tpu.memory_space<hbm>> -> memref<128x128xf32, #tpu.memory_space<hbm>>
          %dma_wait3A_60 = arith.constant 0 : i32
          %dma_wait3A_61 = tpu.memref_slice %arg4[%add3A_53, %dma_wait3A_60] : memref<102400x128xf32, #tpu.memory_space<hbm>> -> memref<128x128xf32, #tpu.memory_space<hbm>>
          tpu.wait_dma2 semaphore(%run_scoped3A : memref<!tpu.dma_semaphore, #tpu.memory_space<semaphore_mem>>) src(%arg7 : memref<128x128xf32, #tpu.memory_space<vmem>>) dst(%dma_wait3A_61 : memref<128x128xf32, #tpu.memory_space<hbm>>)
          tpu.yield
        }) : () -> ()
      } else {
      }
    }
    %scan3A_13 = arith.constant 13 : i32
    return
  }
}

#map = affine_map<(d0, d1) -> (0, 0)>
#map1 = affine_map<(d0, d1) -> (0, 0, 0)>
module attributes {stable_mosaic.version = 14 : i64} {
  func.func @gather_k(%arg0: i32, %arg1: i32, %arg2: memref<100000x128xf32, #tpu.memory_space<hbm>>, %arg3: memref<32x25x128xi32, #tpu.memory_space<hbm>>, %arg4: memref<102400x128xf32, #tpu.memory_space<hbm>>, %arg5: memref<25x128xi32, #tpu.memory_space<vmem>>, %arg6: memref<128x128xf32, #tpu.memory_space<vmem>>, %arg7: memref<128x128xf32, #tpu.memory_space<vmem>>, %arg8: memref<!tpu.dma_semaphore, #tpu.memory_space<semaphore_mem>>, %arg9: memref<!tpu.dma_semaphore, #tpu.memory_space<semaphore_mem>>) attributes {dimension_semantics = [#tpu.dimension_semantics<core_parallel>, #tpu.dimension_semantics<subcore_parallel>], iteration_bounds = array<i64: 2, 16>, scalar_prefetch = 0 : i64, scratch_operands = 5 : i64, tpu.core_type = #tpu.core_type<sc_vector_subcore>, window_params = [{transform_indices = #map}, {transform_indices = #map1}, {transform_indices = #map}]} {
    %mul3A = arith.constant 2 : i32
    %mul3A_0 = arith.muli %arg1, %mul3A : i32
    %add3A = arith.addi %mul3A_0, %arg0 : i32
    %mul3A_1 = arith.constant 3200 : i32
    %mul3A_2 = arith.muli %add3A, %mul3A_1 : i32
    "tpu.region"() ({
      %run_scoped3A = tpu.sem_alloc : memref<!tpu.dma_semaphore, #tpu.memory_space<semaphore_mem>>
      %dma_start3A_14 = arith.constant 0 : i32
      %dma_start3A_15 = arith.constant 0 : i32
      %dma_start3A_16 = tpu.memref_slice %arg3[%add3A, %dma_start3A_14, %dma_start3A_15] : memref<32x25x128xi32, #tpu.memory_space<hbm>> -> memref<1x25x128xi32, #tpu.memory_space<hbm>>
      %dma_start3A_17 = tpu.memref_squeeze %dma_start3A_16 : memref<1x25x128xi32, #tpu.memory_space<hbm>> -> memref<25x128xi32, #tpu.memory_space<hbm>>
      %dma_start3A_18 = arith.constant 0 : i32
      %dma_start3A_19 = arith.constant 0 : i32
      %dma_start3A_20 = tpu.memref_slice %arg3[%add3A, %dma_start3A_18, %dma_start3A_19] : memref<32x25x128xi32, #tpu.memory_space<hbm>> -> memref<1x25x128xi32, #tpu.memory_space<hbm>>
      %dma_start3A_21 = tpu.memref_squeeze %dma_start3A_20 : memref<1x25x128xi32, #tpu.memory_space<hbm>> -> memref<25x128xi32, #tpu.memory_space<hbm>>
      tpu.enqueue_dma source(%dma_start3A_21 : memref<25x128xi32, #tpu.memory_space<hbm>>) target(%arg5 : memref<25x128xi32, #tpu.memory_space<vmem>>) target_semaphore(%run_scoped3A : memref<!tpu.dma_semaphore, #tpu.memory_space<semaphore_mem>>)
      %dma_wait3A = arith.constant 0 : i32
      %dma_wait3A_22 = arith.constant 0 : i32
      %dma_wait3A_23 = tpu.memref_slice %arg3[%add3A, %dma_wait3A, %dma_wait3A_22] : memref<32x25x128xi32, #tpu.memory_space<hbm>> -> memref<1x25x128xi32, #tpu.memory_space<hbm>>
      %dma_wait3A_24 = tpu.memref_squeeze %dma_wait3A_23 : memref<1x25x128xi32, #tpu.memory_space<hbm>> -> memref<25x128xi32, #tpu.memory_space<hbm>>
      %dma_wait3A_25 = arith.constant 0 : i32
      %dma_wait3A_26 = arith.constant 0 : i32
      %dma_wait3A_27 = tpu.memref_slice %arg3[%add3A, %dma_wait3A_25, %dma_wait3A_26] : memref<32x25x128xi32, #tpu.memory_space<hbm>> -> memref<1x25x128xi32, #tpu.memory_space<hbm>>
      %dma_wait3A_28 = tpu.memref_squeeze %dma_wait3A_27 : memref<1x25x128xi32, #tpu.memory_space<hbm>> -> memref<25x128xi32, #tpu.memory_space<hbm>>
      tpu.wait_dma2 semaphore(%run_scoped3A : memref<!tpu.dma_semaphore, #tpu.memory_space<semaphore_mem>>) src(%dma_wait3A_28 : memref<25x128xi32, #tpu.memory_space<hbm>>) dst(%arg5 : memref<25x128xi32, #tpu.memory_space<vmem>>)
      tpu.yield
    }) : () -> ()
    %dma_start3A = arith.constant 0 : i32
    %dma_start3A_3 = arith.constant 0 : i32
    %dma_start3A_4 = tpu.memref_slice %arg5[%dma_start3A, %dma_start3A_3] : memref<25x128xi32, #tpu.memory_space<vmem>> -> memref<1x128xi32, #tpu.memory_space<vmem>>
    %dma_start3A_5 = tpu.memref_squeeze %dma_start3A_4 : memref<1x128xi32, #tpu.memory_space<vmem>> -> memref<128xi32, #tpu.memory_space<vmem>>
    %dma_start3A_6 = arith.constant 0 : i32
    %dma_start3A_7 = arith.constant 0 : i32
    %dma_start3A_8 = tpu.memref_slice %arg2[%dma_start3A_6, %dma_start3A_7] : memref<100000x128xf32, #tpu.memory_space<hbm>> -> memref<100000x128xf32, #tpu.memory_space<hbm>>
    tpu.enqueue_indirect_dma source(%dma_start3A_8 : memref<100000x128xf32, #tpu.memory_space<hbm>>) target(%arg6 : memref<128x128xf32, #tpu.memory_space<vmem>>) offsets(%dma_start3A_5 : memref<128xi32, #tpu.memory_space<vmem>>) semaphore(%arg8 : memref<!tpu.dma_semaphore, #tpu.memory_space<semaphore_mem>>)
    %scan3A = arith.constant 0 : i32
    %scan3A_9 = arith.constant 0 : i32
    %scan3A_10 = arith.constant 13 : i32
    %scan3A_11 = arith.addi %scan3A_9, %scan3A_10 : i32
    %scan3A_12 = arith.constant 1 : i32
    scf.for %scan3A_14 = %scan3A_9 to %scan3A_11 step %scan3A_12  : i32 {
      %mul3A_15 = arith.constant 2 : i32
      %mul3A_16 = arith.muli %mul3A_15, %scan3A_14 : i32
      %add3A_17 = arith.constant 1 : i32
      %add3A_18 = arith.addi %mul3A_16, %add3A_17 : i32
      %lt3A = arith.constant 25 : i32
      %lt3A_19 = arith.cmpi slt, %add3A_18, %lt3A : i32
      %convert_element_type3A = arith.extui %lt3A_19 : i1 to i32
      %cond3A = arith.constant 0 : i32
      %cond3A_20 = arith.cmpi ne, %convert_element_type3A, %cond3A : i32
      scf.if %cond3A_20 {
        %add3A_43 = arith.constant 1 : i32
        %add3A_44 = arith.addi %mul3A_16, %add3A_43 : i32
        %dma_start3A_45 = arith.constant 0 : i32
        %dma_start3A_46 = tpu.memref_slice %arg5[%add3A_44, %dma_start3A_45] : memref<25x128xi32, #tpu.memory_space<vmem>> -> memref<1x128xi32, #tpu.memory_space<vmem>>
        %dma_start3A_47 = tpu.memref_squeeze %dma_start3A_46 : memref<1x128xi32, #tpu.memory_space<vmem>> -> memref<128xi32, #tpu.memory_space<vmem>>
        %dma_start3A_48 = arith.constant 0 : i32
        %dma_start3A_49 = arith.constant 0 : i32
        %dma_start3A_50 = tpu.memref_slice %arg2[%dma_start3A_48, %dma_start3A_49] : memref<100000x128xf32, #tpu.memory_space<hbm>> -> memref<100000x128xf32, #tpu.memory_space<hbm>>
        tpu.enqueue_indirect_dma source(%dma_start3A_50 : memref<100000x128xf32, #tpu.memory_space<hbm>>) target(%arg7 : memref<128x128xf32, #tpu.memory_space<vmem>>) offsets(%dma_start3A_47 : memref<128xi32, #tpu.memory_space<vmem>>) semaphore(%arg9 : memref<!tpu.dma_semaphore, #tpu.memory_space<semaphore_mem>>)
      } else {
      }
      %dma_wait3A = arith.constant 0 : i32
      %dma_wait3A_21 = tpu.memref_slice %arg5[%mul3A_16, %dma_wait3A] : memref<25x128xi32, #tpu.memory_space<vmem>> -> memref<1x128xi32, #tpu.memory_space<vmem>>
      %dma_wait3A_22 = tpu.memref_squeeze %dma_wait3A_21 : memref<1x128xi32, #tpu.memory_space<vmem>> -> memref<128xi32, #tpu.memory_space<vmem>>
      %dma_wait3A_23 = arith.constant 0 : i32
      %dma_wait3A_24 = arith.constant 0 : i32
      %dma_wait3A_25 = tpu.memref_slice %arg2[%dma_wait3A_23, %dma_wait3A_24] : memref<100000x128xf32, #tpu.memory_space<hbm>> -> memref<100000x128xf32, #tpu.memory_space<hbm>>
      tpu.wait_indirect_dma semaphore(%arg8 : memref<!tpu.dma_semaphore, #tpu.memory_space<semaphore_mem>>) src(%dma_wait3A_25 : memref<100000x128xf32, #tpu.memory_space<hbm>>) dst(%arg6 : memref<128x128xf32, #tpu.memory_space<vmem>>)
      %mul3A_26 = arith.constant 128 : i32
      %mul3A_27 = arith.muli %mul3A_16, %mul3A_26 : i32
      %add3A_28 = arith.addi %mul3A_2, %mul3A_27 : i32
      "tpu.region"() ({
        %run_scoped3A = tpu.sem_alloc : memref<!tpu.dma_semaphore, #tpu.memory_space<semaphore_mem>>
        %dma_start3A_43 = arith.constant 0 : i32
        %dma_start3A_44 = tpu.memref_slice %arg4[%add3A_28, %dma_start3A_43] : memref<102400x128xf32, #tpu.memory_space<hbm>> -> memref<128x128xf32, #tpu.memory_space<hbm>>
        %dma_start3A_45 = arith.constant 0 : i32
        %dma_start3A_46 = tpu.memref_slice %arg4[%add3A_28, %dma_start3A_45] : memref<102400x128xf32, #tpu.memory_space<hbm>> -> memref<128x128xf32, #tpu.memory_space<hbm>>
        tpu.enqueue_dma source(%arg6 : memref<128x128xf32, #tpu.memory_space<vmem>>) target(%dma_start3A_46 : memref<128x128xf32, #tpu.memory_space<hbm>>) target_semaphore(%run_scoped3A : memref<!tpu.dma_semaphore, #tpu.memory_space<semaphore_mem>>)
        %dma_wait3A_47 = arith.constant 0 : i32
        %dma_wait3A_48 = tpu.memref_slice %arg4[%add3A_28, %dma_wait3A_47] : memref<102400x128xf32, #tpu.memory_space<hbm>> -> memref<128x128xf32, #tpu.memory_space<hbm>>
        %dma_wait3A_49 = arith.constant 0 : i32
        %dma_wait3A_50 = tpu.memref_slice %arg4[%add3A_28, %dma_wait3A_49] : memref<102400x128xf32, #tpu.memory_space<hbm>> -> memref<128x128xf32, #tpu.memory_space<hbm>>
        tpu.wait_dma2 semaphore(%run_scoped3A : memref<!tpu.dma_semaphore, #tpu.memory_space<semaphore_mem>>) src(%arg6 : memref<128x128xf32, #tpu.memory_space<vmem>>) dst(%dma_wait3A_50 : memref<128x128xf32, #tpu.memory_space<hbm>>)
        tpu.yield
      }) : () -> ()
      %add3A_29 = arith.constant 2 : i32
      %add3A_30 = arith.addi %mul3A_16, %add3A_29 : i32
      %lt3A_31 = arith.constant 25 : i32
      %lt3A_32 = arith.cmpi slt, %add3A_30, %lt3A_31 : i32
      %convert_element_type3A_33 = arith.extui %lt3A_32 : i1 to i32
      %cond3A_34 = arith.constant 0 : i32
      %cond3A_35 = arith.cmpi ne, %convert_element_type3A_33, %cond3A_34 : i32
      scf.if %cond3A_35 {
        %add3A_43 = arith.constant 2 : i32
        %add3A_44 = arith.addi %mul3A_16, %add3A_43 : i32
        %dma_start3A_45 = arith.constant 0 : i32
        %dma_start3A_46 = tpu.memref_slice %arg5[%add3A_44, %dma_start3A_45] : memref<25x128xi32, #tpu.memory_space<vmem>> -> memref<1x128xi32, #tpu.memory_space<vmem>>
        %dma_start3A_47 = tpu.memref_squeeze %dma_start3A_46 : memref<1x128xi32, #tpu.memory_space<vmem>> -> memref<128xi32, #tpu.memory_space<vmem>>
        %dma_start3A_48 = arith.constant 0 : i32
        %dma_start3A_49 = arith.constant 0 : i32
        %dma_start3A_50 = tpu.memref_slice %arg2[%dma_start3A_48, %dma_start3A_49] : memref<100000x128xf32, #tpu.memory_space<hbm>> -> memref<100000x128xf32, #tpu.memory_space<hbm>>
        tpu.enqueue_indirect_dma source(%dma_start3A_50 : memref<100000x128xf32, #tpu.memory_space<hbm>>) target(%arg6 : memref<128x128xf32, #tpu.memory_space<vmem>>) offsets(%dma_start3A_47 : memref<128xi32, #tpu.memory_space<vmem>>) semaphore(%arg8 : memref<!tpu.dma_semaphore, #tpu.memory_space<semaphore_mem>>)
      } else {
      }
      %add3A_36 = arith.constant 1 : i32
      %add3A_37 = arith.addi %mul3A_16, %add3A_36 : i32
      %lt3A_38 = arith.constant 25 : i32
      %lt3A_39 = arith.cmpi slt, %add3A_37, %lt3A_38 : i32
      %convert_element_type3A_40 = arith.extui %lt3A_39 : i1 to i32
      %cond3A_41 = arith.constant 0 : i32
      %cond3A_42 = arith.cmpi ne, %convert_element_type3A_40, %cond3A_41 : i32
      scf.if %cond3A_42 {
        %add3A_43 = arith.constant 1 : i32
        %add3A_44 = arith.addi %mul3A_16, %add3A_43 : i32
        %dma_wait3A_45 = arith.constant 0 : i32
        %dma_wait3A_46 = tpu.memref_slice %arg5[%add3A_44, %dma_wait3A_45] : memref<25x128xi32, #tpu.memory_space<vmem>> -> memref<1x128xi32, #tpu.memory_space<vmem>>
        %dma_wait3A_47 = tpu.memref_squeeze %dma_wait3A_46 : memref<1x128xi32, #tpu.memory_space<vmem>> -> memref<128xi32, #tpu.memory_space<vmem>>
        %dma_wait3A_48 = arith.constant 0 : i32
        %dma_wait3A_49 = arith.constant 0 : i32
        %dma_wait3A_50 = tpu.memref_slice %arg2[%dma_wait3A_48, %dma_wait3A_49] : memref<100000x128xf32, #tpu.memory_space<hbm>> -> memref<100000x128xf32, #tpu.memory_space<hbm>>
        tpu.wait_indirect_dma semaphore(%arg9 : memref<!tpu.dma_semaphore, #tpu.memory_space<semaphore_mem>>) src(%dma_wait3A_50 : memref<100000x128xf32, #tpu.memory_space<hbm>>) dst(%arg7 : memref<128x128xf32, #tpu.memory_space<vmem>>)
        %mul3A_51 = arith.constant 128 : i32
        %mul3A_52 = arith.muli %add3A_44, %mul3A_51 : i32
        %add3A_53 = arith.addi %mul3A_2, %mul3A_52 : i32
        "tpu.region"() ({
          %run_scoped3A = tpu.sem_alloc : memref<!tpu.dma_semaphore, #tpu.memory_space<semaphore_mem>>
          %dma_start3A_54 = arith.constant 0 : i32
          %dma_start3A_55 = tpu.memref_slice %arg4[%add3A_53, %dma_start3A_54] : memref<102400x128xf32, #tpu.memory_space<hbm>> -> memref<128x128xf32, #tpu.memory_space<hbm>>
          %dma_start3A_56 = arith.constant 0 : i32
          %dma_start3A_57 = tpu.memref_slice %arg4[%add3A_53, %dma_start3A_56] : memref<102400x128xf32, #tpu.memory_space<hbm>> -> memref<128x128xf32, #tpu.memory_space<hbm>>
          tpu.enqueue_dma source(%arg7 : memref<128x128xf32, #tpu.memory_space<vmem>>) target(%dma_start3A_57 : memref<128x128xf32, #tpu.memory_space<hbm>>) target_semaphore(%run_scoped3A : memref<!tpu.dma_semaphore, #tpu.memory_space<semaphore_mem>>)
          %dma_wait3A_58 = arith.constant 0 : i32
          %dma_wait3A_59 = tpu.memref_slice %arg4[%add3A_53, %dma_wait3A_58] : memref<102400x128xf32, #tpu.memory_space<hbm>> -> memref<128x128xf32, #tpu.memory_space<hbm>>
          %dma_wait3A_60 = arith.constant 0 : i32
          %dma_wait3A_61 = tpu.memref_slice %arg4[%add3A_53, %dma_wait3A_60] : memref<102400x128xf32, #tpu.memory_space<hbm>> -> memref<128x128xf32, #tpu.memory_space<hbm>>
          tpu.wait_dma2 semaphore(%run_scoped3A : memref<!tpu.dma_semaphore, #tpu.memory_space<semaphore_mem>>) src(%arg7 : memref<128x128xf32, #tpu.memory_space<vmem>>) dst(%dma_wait3A_61 : memref<128x128xf32, #tpu.memory_space<hbm>>)
          tpu.yield
        }) : () -> ()
      } else {
      }
    }
    %scan3A_13 = arith.constant 13 : i32
    return
  }
}

#map = affine_map<(d0, d1) -> (0, 0)>
#map1 = affine_map<(d0, d1) -> (0, 0, 0)>
module attributes {stable_mosaic.version = 14 : i64} {
  func.func @gather_k(%arg0: i32, %arg1: i32, %arg2: memref<100000x128xf32, #tpu.memory_space<hbm>>, %arg3: memref<32x25x128xi32, #tpu.memory_space<hbm>>, %arg4: memref<102400x128xf32, #tpu.memory_space<hbm>>, %arg5: memref<25x128xi32, #tpu.memory_space<vmem>>, %arg6: memref<128x128xf32, #tpu.memory_space<vmem>>, %arg7: memref<128x128xf32, #tpu.memory_space<vmem>>, %arg8: memref<!tpu.dma_semaphore, #tpu.memory_space<semaphore_mem>>, %arg9: memref<!tpu.dma_semaphore, #tpu.memory_space<semaphore_mem>>) attributes {dimension_semantics = [#tpu.dimension_semantics<core_parallel>, #tpu.dimension_semantics<subcore_parallel>], iteration_bounds = array<i64: 2, 16>, scalar_prefetch = 0 : i64, scratch_operands = 5 : i64, tpu.core_type = #tpu.core_type<sc_vector_subcore>, window_params = [{transform_indices = #map}, {transform_indices = #map1}, {transform_indices = #map}]} {
    %mul3A = arith.constant 2 : i32
    %mul3A_0 = arith.muli %arg1, %mul3A : i32
    %add3A = arith.addi %mul3A_0, %arg0 : i32
    %mul3A_1 = arith.constant 3200 : i32
    %mul3A_2 = arith.muli %add3A, %mul3A_1 : i32
    "tpu.region"() ({
      %run_scoped3A = tpu.sem_alloc : memref<!tpu.dma_semaphore, #tpu.memory_space<semaphore_mem>>
      %dma_start3A_14 = arith.constant 0 : i32
      %dma_start3A_15 = arith.constant 0 : i32
      %dma_start3A_16 = tpu.memref_slice %arg3[%add3A, %dma_start3A_14, %dma_start3A_15] : memref<32x25x128xi32, #tpu.memory_space<hbm>> -> memref<1x25x128xi32, #tpu.memory_space<hbm>>
      %dma_start3A_17 = tpu.memref_squeeze %dma_start3A_16 : memref<1x25x128xi32, #tpu.memory_space<hbm>> -> memref<25x128xi32, #tpu.memory_space<hbm>>
      %dma_start3A_18 = arith.constant 0 : i32
      %dma_start3A_19 = arith.constant 0 : i32
      %dma_start3A_20 = tpu.memref_slice %arg3[%add3A, %dma_start3A_18, %dma_start3A_19] : memref<32x25x128xi32, #tpu.memory_space<hbm>> -> memref<1x25x128xi32, #tpu.memory_space<hbm>>
      %dma_start3A_21 = tpu.memref_squeeze %dma_start3A_20 : memref<1x25x128xi32, #tpu.memory_space<hbm>> -> memref<25x128xi32, #tpu.memory_space<hbm>>
      tpu.enqueue_dma source(%dma_start3A_21 : memref<25x128xi32, #tpu.memory_space<hbm>>) target(%arg5 : memref<25x128xi32, #tpu.memory_space<vmem>>) target_semaphore(%run_scoped3A : memref<!tpu.dma_semaphore, #tpu.memory_space<semaphore_mem>>)
      %dma_wait3A = arith.constant 0 : i32
      %dma_wait3A_22 = arith.constant 0 : i32
      %dma_wait3A_23 = tpu.memref_slice %arg3[%add3A, %dma_wait3A, %dma_wait3A_22] : memref<32x25x128xi32, #tpu.memory_space<hbm>> -> memref<1x25x128xi32, #tpu.memory_space<hbm>>
      %dma_wait3A_24 = tpu.memref_squeeze %dma_wait3A_23 : memref<1x25x128xi32, #tpu.memory_space<hbm>> -> memref<25x128xi32, #tpu.memory_space<hbm>>
      %dma_wait3A_25 = arith.constant 0 : i32
      %dma_wait3A_26 = arith.constant 0 : i32
      %dma_wait3A_27 = tpu.memref_slice %arg3[%add3A, %dma_wait3A_25, %dma_wait3A_26] : memref<32x25x128xi32, #tpu.memory_space<hbm>> -> memref<1x25x128xi32, #tpu.memory_space<hbm>>
      %dma_wait3A_28 = tpu.memref_squeeze %dma_wait3A_27 : memref<1x25x128xi32, #tpu.memory_space<hbm>> -> memref<25x128xi32, #tpu.memory_space<hbm>>
      tpu.wait_dma2 semaphore(%run_scoped3A : memref<!tpu.dma_semaphore, #tpu.memory_space<semaphore_mem>>) src(%dma_wait3A_28 : memref<25x128xi32, #tpu.memory_space<hbm>>) dst(%arg5 : memref<25x128xi32, #tpu.memory_space<vmem>>)
      tpu.yield
    }) : () -> ()
    %dma_start3A = arith.constant 0 : i32
    %dma_start3A_3 = arith.constant 0 : i32
    %dma_start3A_4 = tpu.memref_slice %arg5[%dma_start3A, %dma_start3A_3] : memref<25x128xi32, #tpu.memory_space<vmem>> -> memref<1x128xi32, #tpu.memory_space<vmem>>
    %dma_start3A_5 = tpu.memref_squeeze %dma_start3A_4 : memref<1x128xi32, #tpu.memory_space<vmem>> -> memref<128xi32, #tpu.memory_space<vmem>>
    %dma_start3A_6 = arith.constant 0 : i32
    %dma_start3A_7 = arith.constant 0 : i32
    %dma_start3A_8 = tpu.memref_slice %arg2[%dma_start3A_6, %dma_start3A_7] : memref<100000x128xf32, #tpu.memory_space<hbm>> -> memref<100000x128xf32, #tpu.memory_space<hbm>>
    tpu.enqueue_indirect_dma source(%dma_start3A_8 : memref<100000x128xf32, #tpu.memory_space<hbm>>) target(%arg6 : memref<128x128xf32, #tpu.memory_space<vmem>>) offsets(%dma_start3A_5 : memref<128xi32, #tpu.memory_space<vmem>>) semaphore(%arg8 : memref<!tpu.dma_semaphore, #tpu.memory_space<semaphore_mem>>)
    %scan3A = arith.constant 0 : i32
    %scan3A_9 = arith.constant 0 : i32
    %scan3A_10 = arith.constant 13 : i32
    %scan3A_11 = arith.addi %scan3A_9, %scan3A_10 : i32
    %scan3A_12 = arith.constant 1 : i32
    scf.for %scan3A_14 = %scan3A_9 to %scan3A_11 step %scan3A_12  : i32 {
      %mul3A_15 = arith.constant 2 : i32
      %mul3A_16 = arith.muli %mul3A_15, %scan3A_14 : i32
      %add3A_17 = arith.constant 1 : i32
      %add3A_18 = arith.addi %mul3A_16, %add3A_17 : i32
      %lt3A = arith.constant 25 : i32
      %lt3A_19 = arith.cmpi slt, %add3A_18, %lt3A : i32
      %convert_element_type3A = arith.extui %lt3A_19 : i1 to i32
      %cond3A = arith.constant 0 : i32
      %cond3A_20 = arith.cmpi ne, %convert_element_type3A, %cond3A : i32
      scf.if %cond3A_20 {
        %add3A_43 = arith.constant 1 : i32
        %add3A_44 = arith.addi %mul3A_16, %add3A_43 : i32
        %dma_start3A_45 = arith.constant 0 : i32
        %dma_start3A_46 = tpu.memref_slice %arg5[%add3A_44, %dma_start3A_45] : memref<25x128xi32, #tpu.memory_space<vmem>> -> memref<1x128xi32, #tpu.memory_space<vmem>>
        %dma_start3A_47 = tpu.memref_squeeze %dma_start3A_46 : memref<1x128xi32, #tpu.memory_space<vmem>> -> memref<128xi32, #tpu.memory_space<vmem>>
        %dma_start3A_48 = arith.constant 0 : i32
        %dma_start3A_49 = arith.constant 0 : i32
        %dma_start3A_50 = tpu.memref_slice %arg2[%dma_start3A_48, %dma_start3A_49] : memref<100000x128xf32, #tpu.memory_space<hbm>> -> memref<100000x128xf32, #tpu.memory_space<hbm>>
        tpu.enqueue_indirect_dma source(%dma_start3A_50 : memref<100000x128xf32, #tpu.memory_space<hbm>>) target(%arg7 : memref<128x128xf32, #tpu.memory_space<vmem>>) offsets(%dma_start3A_47 : memref<128xi32, #tpu.memory_space<vmem>>) semaphore(%arg9 : memref<!tpu.dma_semaphore, #tpu.memory_space<semaphore_mem>>)
      } else {
      }
      %dma_wait3A = arith.constant 0 : i32
      %dma_wait3A_21 = tpu.memref_slice %arg5[%mul3A_16, %dma_wait3A] : memref<25x128xi32, #tpu.memory_space<vmem>> -> memref<1x128xi32, #tpu.memory_space<vmem>>
      %dma_wait3A_22 = tpu.memref_squeeze %dma_wait3A_21 : memref<1x128xi32, #tpu.memory_space<vmem>> -> memref<128xi32, #tpu.memory_space<vmem>>
      %dma_wait3A_23 = arith.constant 0 : i32
      %dma_wait3A_24 = arith.constant 0 : i32
      %dma_wait3A_25 = tpu.memref_slice %arg2[%dma_wait3A_23, %dma_wait3A_24] : memref<100000x128xf32, #tpu.memory_space<hbm>> -> memref<100000x128xf32, #tpu.memory_space<hbm>>
      tpu.wait_indirect_dma semaphore(%arg8 : memref<!tpu.dma_semaphore, #tpu.memory_space<semaphore_mem>>) src(%dma_wait3A_25 : memref<100000x128xf32, #tpu.memory_space<hbm>>) dst(%arg6 : memref<128x128xf32, #tpu.memory_space<vmem>>)
      %mul3A_26 = arith.constant 128 : i32
      %mul3A_27 = arith.muli %mul3A_16, %mul3A_26 : i32
      %add3A_28 = arith.addi %mul3A_2, %mul3A_27 : i32
      "tpu.region"() ({
        %run_scoped3A = tpu.sem_alloc : memref<!tpu.dma_semaphore, #tpu.memory_space<semaphore_mem>>
        %dma_start3A_43 = arith.constant 0 : i32
        %dma_start3A_44 = tpu.memref_slice %arg4[%add3A_28, %dma_start3A_43] : memref<102400x128xf32, #tpu.memory_space<hbm>> -> memref<128x128xf32, #tpu.memory_space<hbm>>
        %dma_start3A_45 = arith.constant 0 : i32
        %dma_start3A_46 = tpu.memref_slice %arg4[%add3A_28, %dma_start3A_45] : memref<102400x128xf32, #tpu.memory_space<hbm>> -> memref<128x128xf32, #tpu.memory_space<hbm>>
        tpu.enqueue_dma source(%arg6 : memref<128x128xf32, #tpu.memory_space<vmem>>) target(%dma_start3A_46 : memref<128x128xf32, #tpu.memory_space<hbm>>) target_semaphore(%run_scoped3A : memref<!tpu.dma_semaphore, #tpu.memory_space<semaphore_mem>>)
        %dma_wait3A_47 = arith.constant 0 : i32
        %dma_wait3A_48 = tpu.memref_slice %arg4[%add3A_28, %dma_wait3A_47] : memref<102400x128xf32, #tpu.memory_space<hbm>> -> memref<128x128xf32, #tpu.memory_space<hbm>>
        %dma_wait3A_49 = arith.constant 0 : i32
        %dma_wait3A_50 = tpu.memref_slice %arg4[%add3A_28, %dma_wait3A_49] : memref<102400x128xf32, #tpu.memory_space<hbm>> -> memref<128x128xf32, #tpu.memory_space<hbm>>
        tpu.wait_dma2 semaphore(%run_scoped3A : memref<!tpu.dma_semaphore, #tpu.memory_space<semaphore_mem>>) src(%arg6 : memref<128x128xf32, #tpu.memory_space<vmem>>) dst(%dma_wait3A_50 : memref<128x128xf32, #tpu.memory_space<hbm>>)
        tpu.yield
      }) : () -> ()
      %add3A_29 = arith.constant 2 : i32
      %add3A_30 = arith.addi %mul3A_16, %add3A_29 : i32
      %lt3A_31 = arith.constant 25 : i32
      %lt3A_32 = arith.cmpi slt, %add3A_30, %lt3A_31 : i32
      %convert_element_type3A_33 = arith.extui %lt3A_32 : i1 to i32
      %cond3A_34 = arith.constant 0 : i32
      %cond3A_35 = arith.cmpi ne, %convert_element_type3A_33, %cond3A_34 : i32
      scf.if %cond3A_35 {
        %add3A_43 = arith.constant 2 : i32
        %add3A_44 = arith.addi %mul3A_16, %add3A_43 : i32
        %dma_start3A_45 = arith.constant 0 : i32
        %dma_start3A_46 = tpu.memref_slice %arg5[%add3A_44, %dma_start3A_45] : memref<25x128xi32, #tpu.memory_space<vmem>> -> memref<1x128xi32, #tpu.memory_space<vmem>>
        %dma_start3A_47 = tpu.memref_squeeze %dma_start3A_46 : memref<1x128xi32, #tpu.memory_space<vmem>> -> memref<128xi32, #tpu.memory_space<vmem>>
        %dma_start3A_48 = arith.constant 0 : i32
        %dma_start3A_49 = arith.constant 0 : i32
        %dma_start3A_50 = tpu.memref_slice %arg2[%dma_start3A_48, %dma_start3A_49] : memref<100000x128xf32, #tpu.memory_space<hbm>> -> memref<100000x128xf32, #tpu.memory_space<hbm>>
        tpu.enqueue_indirect_dma source(%dma_start3A_50 : memref<100000x128xf32, #tpu.memory_space<hbm>>) target(%arg6 : memref<128x128xf32, #tpu.memory_space<vmem>>) offsets(%dma_start3A_47 : memref<128xi32, #tpu.memory_space<vmem>>) semaphore(%arg8 : memref<!tpu.dma_semaphore, #tpu.memory_space<semaphore_mem>>)
      } else {
      }
      %add3A_36 = arith.constant 1 : i32
      %add3A_37 = arith.addi %mul3A_16, %add3A_36 : i32
      %lt3A_38 = arith.constant 25 : i32
      %lt3A_39 = arith.cmpi slt, %add3A_37, %lt3A_38 : i32
      %convert_element_type3A_40 = arith.extui %lt3A_39 : i1 to i32
      %cond3A_41 = arith.constant 0 : i32
      %cond3A_42 = arith.cmpi ne, %convert_element_type3A_40, %cond3A_41 : i32
      scf.if %cond3A_42 {
        %add3A_43 = arith.constant 1 : i32
        %add3A_44 = arith.addi %mul3A_16, %add3A_43 : i32
        %dma_wait3A_45 = arith.constant 0 : i32
        %dma_wait3A_46 = tpu.memref_slice %arg5[%add3A_44, %dma_wait3A_45] : memref<25x128xi32, #tpu.memory_space<vmem>> -> memref<1x128xi32, #tpu.memory_space<vmem>>
        %dma_wait3A_47 = tpu.memref_squeeze %dma_wait3A_46 : memref<1x128xi32, #tpu.memory_space<vmem>> -> memref<128xi32, #tpu.memory_space<vmem>>
        %dma_wait3A_48 = arith.constant 0 : i32
        %dma_wait3A_49 = arith.constant 0 : i32
        %dma_wait3A_50 = tpu.memref_slice %arg2[%dma_wait3A_48, %dma_wait3A_49] : memref<100000x128xf32, #tpu.memory_space<hbm>> -> memref<100000x128xf32, #tpu.memory_space<hbm>>
        tpu.wait_indirect_dma semaphore(%arg9 : memref<!tpu.dma_semaphore, #tpu.memory_space<semaphore_mem>>) src(%dma_wait3A_50 : memref<100000x128xf32, #tpu.memory_space<hbm>>) dst(%arg7 : memref<128x128xf32, #tpu.memory_space<vmem>>)
        %mul3A_51 = arith.constant 128 : i32
        %mul3A_52 = arith.muli %add3A_44, %mul3A_51 : i32
        %add3A_53 = arith.addi %mul3A_2, %mul3A_52 : i32
        "tpu.region"() ({
          %run_scoped3A = tpu.sem_alloc : memref<!tpu.dma_semaphore, #tpu.memory_space<semaphore_mem>>
          %dma_start3A_54 = arith.constant 0 : i32
          %dma_start3A_55 = tpu.memref_slice %arg4[%add3A_53, %dma_start3A_54] : memref<102400x128xf32, #tpu.memory_space<hbm>> -> memref<128x128xf32, #tpu.memory_space<hbm>>
          %dma_start3A_56 = arith.constant 0 : i32
          %dma_start3A_57 = tpu.memref_slice %arg4[%add3A_53, %dma_start3A_56] : memref<102400x128xf32, #tpu.memory_space<hbm>> -> memref<128x128xf32, #tpu.memory_space<hbm>>
          tpu.enqueue_dma source(%arg7 : memref<128x128xf32, #tpu.memory_space<vmem>>) target(%dma_start3A_57 : memref<128x128xf32, #tpu.memory_space<hbm>>) target_semaphore(%run_scoped3A : memref<!tpu.dma_semaphore, #tpu.memory_space<semaphore_mem>>)
          %dma_wait3A_58 = arith.constant 0 : i32
          %dma_wait3A_59 = tpu.memref_slice %arg4[%add3A_53, %dma_wait3A_58] : memref<102400x128xf32, #tpu.memory_space<hbm>> -> memref<128x128xf32, #tpu.memory_space<hbm>>
          %dma_wait3A_60 = arith.constant 0 : i32
          %dma_wait3A_61 = tpu.memref_slice %arg4[%add3A_53, %dma_wait3A_60] : memref<102400x128xf32, #tpu.memory_space<hbm>> -> memref<128x128xf32, #tpu.memory_space<hbm>>
          tpu.wait_dma2 semaphore(%run_scoped3A : memref<!tpu.dma_semaphore, #tpu.memory_space<semaphore_mem>>) src(%arg7 : memref<128x128xf32, #tpu.memory_space<vmem>>) dst(%dma_wait3A_61 : memref<128x128xf32, #tpu.memory_space<hbm>>)
          tpu.yield
        }) : () -> ()
      } else {
      }
    }
    %scan3A_13 = arith.constant 13 : i32
    return
  }
}

module attributes {stable_mosaic.version = 14 : i64} {
  func.func @_tc_body_first(%arg0: i32, %arg1: memref<4096x128xf32, #tpu.memory_space<vmem>>, %arg2: memref<2x4096xf32, #tpu.memory_space<vmem>>, %arg3: memref<64x128xf32, #tpu.memory_space<vmem>>, %arg4: memref<64x2xf32, #tpu.memory_space<vmem>>, %arg5: memref<1x64xf32, #tpu.memory_space<vmem>>, %arg6: memref<1x64xf32, #tpu.memory_space<vmem>>, %arg7: memref<1x64xf32, #tpu.memory_space<vmem>>, %arg8: memref<1x64xf32, #tpu.memory_space<vmem>>, %arg9: memref<1x64x4096xf32, #tpu.memory_space<vmem>>) attributes {dimension_semantics = [#tpu.dimension_semantics<arbitrary>], iteration_bounds = array<i64: 25>, scalar_prefetch = 0 : i64, scratch_operands = 0 : i64, tpu.core_type = #tpu.core_type<tc>, window_params = [{transform_indices = @transform_0, window_bounds = array<i64: 4096, 128>}, {transform_indices = @transform_1, window_bounds = array<i64: 2, 4096>}, {pipeline_mode = #tpu.pipeline_mode<synchronous>, transform_indices = @transform_2, window_bounds = array<i64: 64, 128>}, {pipeline_mode = #tpu.pipeline_mode<synchronous>, transform_indices = @transform_3, window_bounds = array<i64: 64, 2>}, {pipeline_mode = #tpu.pipeline_mode<synchronous>, transform_indices = @transform_4, window_bounds = array<i64: 1, 64>}, {pipeline_mode = #tpu.pipeline_mode<synchronous>, transform_indices = @transform_5, window_bounds = array<i64: 1, 64>}, {pipeline_mode = #tpu.pipeline_mode<synchronous>, transform_indices = @transform_6, window_bounds = array<i64: 1, 64>}, {pipeline_mode = #tpu.pipeline_mode<synchronous>, transform_indices = @transform_7, window_bounds = array<i64: 1, 64>}, {transform_indices = @transform_8, window_bounds = array<i64: 1, 64, 4096>}]} {
    %get3A = arith.constant 0 : index
    %get3A_0 = arith.constant 0 : index
    %get3A_1 = vector.load %arg4[%get3A, %get3A_0] : memref<64x2xf32, #tpu.memory_space<vmem>>, vector<64x2xf32>
    %get3A_2 = arith.constant 0 : index
    %get3A_3 = arith.constant 64 : index
    %get3A_4 = vector.load %arg3[%get3A_2, %get3A_3] : memref<64x128xf32, #tpu.memory_space<vmem>>, vector<64x64xf32>
    %dot_general3A = arith.constant dense<0.000000e+00> : vector<2x64xf32>
    %dot_general3A_5 = tpu.matmul %get3A_1, %get3A_4, %dot_general3A {dimension_numbers = #tpu.dot_dimension_numbers<[0], [1], [1], [0], [0, 1, 1, 0], [], []>, transpose_lhs_hint = false} : vector<64x2xf32>, vector<64x64xf32>, vector<2x64xf32> -> vector<2x64xf32>
    %iota3A = tpu.iota {dimensions = array<i32: 0>} : vector<64x64xi32>
    %iota3A_6 = tpu.iota {dimensions = array<i32: 1>} : vector<64x64xi32>
    %eq3A = arith.cmpi eq, %iota3A, %iota3A_6 : vector<64x64xi32>
    %convert_element_type3A = arith.extui %eq3A : vector<64x64xi1> to vector<64x64xi32>
    %convert_element_type3A_7 = arith.sitofp %convert_element_type3A : vector<64x64xi32> to vector<64x64xf32>
    %broadcast_in_dim3A = arith.constant 1.000000e+00 : f32
    %broadcast_in_dim3A_8 = vector.broadcast %broadcast_in_dim3A : f32 to vector<64x4096xf32>
    %get3A_9 = arith.constant 0 : index
    %get3A_10 = arith.constant 0 : index
    %get3A_11 = vector.load %arg5[%get3A_9, %get3A_10] : memref<1x64xf32, #tpu.memory_space<vmem>>, vector<1x64xf32>
    %get3A_12 = arith.constant 0 : index
    %get3A_13 = arith.constant 64 : index
    %get3A_14 = vector.load %arg3[%get3A_12, %get3A_13] : memref<64x128xf32, #tpu.memory_space<vmem>>, vector<64x64xf32>
    %dot_general3A_15 = arith.constant dense<0.000000e+00> : vector<1x64xf32>
    %dot_general3A_16 = tpu.matmul %get3A_11, %get3A_14, %dot_general3A_15 {dimension_numbers = #tpu.dot_dimension_numbers<[1], [1], [0], [0], [0, 0, 1, 0], [], []>, transpose_lhs_hint = false} : vector<1x64xf32>, vector<64x64xf32>, vector<1x64xf32> -> vector<1x64xf32>
    %get3A_17 = arith.constant 0 : index
    %get3A_18 = arith.constant 0 : index
    %get3A_19 = vector.load %arg6[%get3A_17, %get3A_18] : memref<1x64xf32, #tpu.memory_space<vmem>>, vector<1x64xf32>
    %add3A = arith.addf %dot_general3A_16, %get3A_19 : vector<1x64xf32>
    %get3A_20 = arith.constant 0 : index
    %get3A_21 = arith.constant 0 : index
    %get3A_22 = vector.load %arg2[%get3A_20, %get3A_21] : memref<2x4096xf32, #tpu.memory_space<vmem>>, vector<2x4096xf32>
    %dot_general3A_23 = arith.constant dense<0.000000e+00> : vector<64x4096xf32>
    %dot_general3A_24 = tpu.matmul %dot_general3A_5, %get3A_22, %dot_general3A_23 {dimension_numbers = #tpu.dot_dimension_numbers<[0], [0], [1], [1], [0, 1, 1, 1], [], []>, transpose_lhs_hint = false} : vector<2x64xf32>, vector<2x4096xf32>, vector<64x4096xf32> -> vector<64x4096xf32>
    %get3A_25 = arith.constant 0 : index
    %get3A_26 = arith.constant 0 : index
    %get3A_27 = vector.load %arg3[%get3A_25, %get3A_26] : memref<64x128xf32, #tpu.memory_space<vmem>>, vector<64x64xf32>
    %get3A_28 = arith.constant 0 : index
    %get3A_29 = arith.constant 0 : index
    %get3A_30 = vector.load %arg1[%get3A_28, %get3A_29] : memref<4096x128xf32, #tpu.memory_space<vmem>>, vector<4096x64xf32>
    %dot_general3A_31 = arith.constant dense<0.000000e+00> : vector<64x4096xf32>
    %dot_general3A_32 = tpu.matmul %get3A_27, %get3A_30, %dot_general3A_31 {dimension_numbers = #tpu.dot_dimension_numbers<[1], [1], [0], [0], [0, 0, 1, 0], [], []>, transpose_lhs_hint = false} : vector<64x64xf32>, vector<4096x64xf32>, vector<64x4096xf32> -> vector<64x4096xf32>
    %add3A_33 = arith.addf %dot_general3A_32, %dot_general3A_24 : vector<64x4096xf32>
    %mul3A = vector.broadcast %add3A : vector<1x64xf32> to vector<64x64xf32>
    %mul3A_34 = arith.mulf %convert_element_type3A_7, %mul3A : vector<64x64xf32>
    %dot_general3A_35 = arith.constant dense<0.000000e+00> : vector<64x4096xf32>
    %dot_general3A_36 = tpu.matmul %mul3A_34, %broadcast_in_dim3A_8, %dot_general3A_35 {dimension_numbers = #tpu.dot_dimension_numbers<[1], [0], [0], [1], [0, 0, 1, 1], [], []>, transpose_lhs_hint = false} : vector<64x64xf32>, vector<64x4096xf32>, vector<64x4096xf32> -> vector<64x4096xf32>
    %add3A_37 = arith.addf %add3A_33, %dot_general3A_36 : vector<64x4096xf32>
    %reduce_sum3A = arith.constant dense<0.000000e+00> : vector<4096xf32>
    %reduce_sum3A_38 = vector.multi_reduction <add>, %add3A_37, %reduce_sum3A [0] : vector<64x4096xf32> to vector<4096xf32>
    %broadcast_in_dim3A_39 = vector.shape_cast %reduce_sum3A_38 : vector<4096xf32> to vector<1x4096xf32>
    %div3A = arith.constant 6.400000e+01 : f32
    %div3A_40 = vector.broadcast %div3A : f32 to vector<1x4096xf32>
    %div3A_41 = arith.divf %broadcast_in_dim3A_39, %div3A_40 : vector<1x4096xf32>
    %sub3A = vector.broadcast %div3A_41 : vector<1x4096xf32> to vector<64x4096xf32>
    %sub3A_42 = arith.subf %add3A_37, %sub3A : vector<64x4096xf32>
    %mul3A_43 = arith.mulf %sub3A_42, %sub3A_42 : vector<64x4096xf32>
    %reduce_sum3A_44 = arith.constant dense<0.000000e+00> : vector<4096xf32>
    %reduce_sum3A_45 = vector.multi_reduction <add>, %mul3A_43, %reduce_sum3A_44 [0] : vector<64x4096xf32> to vector<4096xf32>
    %broadcast_in_dim3A_46 = vector.shape_cast %reduce_sum3A_45 : vector<4096xf32> to vector<1x4096xf32>
    %div3A_47 = arith.constant 6.400000e+01 : f32
    %div3A_48 = vector.broadcast %div3A_47 : f32 to vector<1x4096xf32>
    %div3A_49 = arith.divf %broadcast_in_dim3A_46, %div3A_48 : vector<1x4096xf32>
    %add3A_50 = arith.constant 9.99999974E-6 : f32
    %add3A_51 = vector.broadcast %add3A_50 : f32 to vector<1x4096xf32>
    %add3A_52 = arith.addf %div3A_49, %add3A_51 : vector<1x4096xf32>
    %rsqrt3A = math.rsqrt %add3A_52 : vector<1x4096xf32>
    %mul3A_53 = vector.broadcast %rsqrt3A : vector<1x4096xf32> to vector<64x4096xf32>
    %mul3A_54 = arith.mulf %sub3A_42, %mul3A_53 : vector<64x4096xf32>
    %get3A_55 = arith.constant 0 : index
    %get3A_56 = arith.constant 0 : index
    %get3A_57 = vector.load %arg7[%get3A_55, %get3A_56] : memref<1x64xf32, #tpu.memory_space<vmem>>, vector<1x64xf32>
    %mul3A_58 = vector.broadcast %get3A_57 : vector<1x64xf32> to vector<64x64xf32>
    %mul3A_59 = arith.mulf %convert_element_type3A_7, %mul3A_58 : vector<64x64xf32>
    %dot_general3A_60 = arith.constant dense<0.000000e+00> : vector<64x4096xf32>
    %dot_general3A_61 = tpu.matmul %mul3A_59, %mul3A_54, %dot_general3A_60 {dimension_numbers = #tpu.dot_dimension_numbers<[1], [0], [0], [1], [0, 0, 1, 1], [], []>, transpose_lhs_hint = false} : vector<64x64xf32>, vector<64x4096xf32>, vector<64x4096xf32> -> vector<64x4096xf32>
    %get3A_62 = arith.constant 0 : index
    %get3A_63 = arith.constant 0 : index
    %get3A_64 = vector.load %arg8[%get3A_62, %get3A_63] : memref<1x64xf32, #tpu.memory_space<vmem>>, vector<1x64xf32>
    %mul3A_65 = vector.broadcast %get3A_64 : vector<1x64xf32> to vector<64x64xf32>
    %mul3A_66 = arith.mulf %convert_element_type3A_7, %mul3A_65 : vector<64x64xf32>
    %dot_general3A_67 = arith.constant dense<0.000000e+00> : vector<64x4096xf32>
    %dot_general3A_68 = tpu.matmul %mul3A_66, %broadcast_in_dim3A_8, %dot_general3A_67 {dimension_numbers = #tpu.dot_dimension_numbers<[1], [0], [0], [1], [0, 0, 1, 1], [], []>, transpose_lhs_hint = false} : vector<64x64xf32>, vector<64x4096xf32>, vector<64x4096xf32> -> vector<64x4096xf32>
    %add3A_69 = arith.addf %dot_general3A_61, %dot_general3A_68 : vector<64x4096xf32>
    %swap3A = arith.constant 0 : index
    %swap3A_70 = arith.constant 0 : index
    %swap3A_71 = arith.constant 0 : index
    %swap3A_72 = vector.load %arg9[%swap3A, %swap3A_70, %swap3A_71] : memref<1x64x4096xf32, #tpu.memory_space<vmem>>, vector<1x64x4096xf32>
    %swap3A_73 = vector.shape_cast %swap3A_72 : vector<1x64x4096xf32> to vector<64x4096xf32>
    %swap3A_74 = vector.shape_cast %add3A_69 : vector<64x4096xf32> to vector<1x64x4096xf32>
    tpu.vector_store %arg9[%swap3A, %swap3A_70, %swap3A_71], %swap3A_74 {strides = array<i32>} : memref<1x64x4096xf32, #tpu.memory_space<vmem>>, vector<1x64x4096xf32>,
    return
  }
  func.func @transform_0(%arg0: i32) -> (i32, i32) {
    %c0_i32 = arith.constant 0 : i32
    %c0_i32_0 = arith.constant 0 : i32
    return %arg0, %c0_i32 : i32, i32
  }
  func.func @transform_1(%arg0: i32) -> (i32, i32) {
    %add3A = arith.constant 0 : i32
    %add3A_0 = arith.addi %add3A, %arg0 : i32
    %c0_i32 = arith.constant 0 : i32
    %c0_i32_1 = arith.constant 0 : i32
    return %c0_i32, %add3A_0 : i32, i32
  }
  func.func @transform_2(%arg0: i32) -> (i32, i32) {
    %c0_i32 = arith.constant 0 : i32
    %c0_i32_0 = arith.constant 0 : i32
    %c0_i32_1 = arith.constant 0 : i32
    return %c0_i32, %c0_i32_0 : i32, i32
  }
  func.func @transform_3(%arg0: i32) -> (i32, i32) {
    %c0_i32 = arith.constant 0 : i32
    %c0_i32_0 = arith.constant 0 : i32
    %c0_i32_1 = arith.constant 0 : i32
    return %c0_i32, %c0_i32_0 : i32, i32
  }
  func.func @transform_4(%arg0: i32) -> (i32, i32) {
    %c0_i32 = arith.constant 0 : i32
    %c0_i32_0 = arith.constant 0 : i32
    %c0_i32_1 = arith.constant 0 : i32
    return %c0_i32, %c0_i32_0 : i32, i32
  }
  func.func @transform_5(%arg0: i32) -> (i32, i32) {
    %c0_i32 = arith.constant 0 : i32
    %c0_i32_0 = arith.constant 0 : i32
    %c0_i32_1 = arith.constant 0 : i32
    return %c0_i32, %c0_i32_0 : i32, i32
  }
  func.func @transform_6(%arg0: i32) -> (i32, i32) {
    %c0_i32 = arith.constant 0 : i32
    %c0_i32_0 = arith.constant 0 : i32
    %c0_i32_1 = arith.constant 0 : i32
    return %c0_i32, %c0_i32_0 : i32, i32
  }
  func.func @transform_7(%arg0: i32) -> (i32, i32) {
    %c0_i32 = arith.constant 0 : i32
    %c0_i32_0 = arith.constant 0 : i32
    %c0_i32_1 = arith.constant 0 : i32
    return %c0_i32, %c0_i32_0 : i32, i32
  }
  func.func @transform_8(%arg0: i32) -> (i32, i32, i32) {
    %add3A = arith.constant 0 : i32
    %add3A_0 = arith.addi %add3A, %arg0 : i32
    %c0_i32 = arith.constant 0 : i32
    %c0_i32_1 = arith.constant 0 : i32
    %c0_i32_2 = arith.constant 0 : i32
    return %add3A_0, %c0_i32, %c0_i32_1 : i32, i32, i32
  }
}

module attributes {stable_mosaic.version = 14 : i64} {
  func.func @_tc_body_chained(%arg0: i32, %arg1: memref<4096x128xf32, #tpu.memory_space<vmem>>, %arg2: memref<2x4096xf32, #tpu.memory_space<vmem>>, %arg3: memref<64x128xf32, #tpu.memory_space<vmem>>, %arg4: memref<64x2xf32, #tpu.memory_space<vmem>>, %arg5: memref<1x64xf32, #tpu.memory_space<vmem>>, %arg6: memref<1x64xf32, #tpu.memory_space<vmem>>, %arg7: memref<1x64xf32, #tpu.memory_space<vmem>>, %arg8: memref<1x64xf32, #tpu.memory_space<vmem>>, %arg9: memref<100x64x4096xf32, #tpu.memory_space<any>>, %arg10: memref<1x64x4096xf32, #tpu.memory_space<vmem>>) attributes {dimension_semantics = [#tpu.dimension_semantics<arbitrary>], iteration_bounds = array<i64: 25>, scalar_prefetch = 0 : i64, scratch_operands = 0 : i64, tpu.core_type = #tpu.core_type<tc>, window_params = [{transform_indices = @transform_0, window_bounds = array<i64: 4096, 128>}, {transform_indices = @transform_1, window_bounds = array<i64: 2, 4096>}, {pipeline_mode = #tpu.pipeline_mode<synchronous>, transform_indices = @transform_2, window_bounds = array<i64: 64, 128>}, {pipeline_mode = #tpu.pipeline_mode<synchronous>, transform_indices = @transform_3, window_bounds = array<i64: 64, 2>}, {pipeline_mode = #tpu.pipeline_mode<synchronous>, transform_indices = @transform_4, window_bounds = array<i64: 1, 64>}, {pipeline_mode = #tpu.pipeline_mode<synchronous>, transform_indices = @transform_5, window_bounds = array<i64: 1, 64>}, {pipeline_mode = #tpu.pipeline_mode<synchronous>, transform_indices = @transform_6, window_bounds = array<i64: 1, 64>}, {pipeline_mode = #tpu.pipeline_mode<synchronous>, transform_indices = @transform_7, window_bounds = array<i64: 1, 64>}, {}, {transform_indices = @transform_9, window_bounds = array<i64: 1, 64, 4096>}]} {
    %get3A = arith.constant 0 : index
    %get3A_0 = arith.constant 0 : index
    %get3A_1 = vector.load %arg4[%get3A, %get3A_0] : memref<64x2xf32, #tpu.memory_space<vmem>>, vector<64x2xf32>
    %get3A_2 = arith.constant 0 : index
    %get3A_3 = arith.constant 64 : index
    %get3A_4 = vector.load %arg3[%get3A_2, %get3A_3] : memref<64x128xf32, #tpu.memory_space<vmem>>, vector<64x64xf32>
    %dot_general3A = arith.constant dense<0.000000e+00> : vector<2x64xf32>
    %dot_general3A_5 = tpu.matmul %get3A_1, %get3A_4, %dot_general3A {dimension_numbers = #tpu.dot_dimension_numbers<[0], [1], [1], [0], [0, 1, 1, 0], [], []>, transpose_lhs_hint = false} : vector<64x2xf32>, vector<64x64xf32>, vector<2x64xf32> -> vector<2x64xf32>
    %iota3A = tpu.iota {dimensions = array<i32: 0>} : vector<64x64xi32>
    %iota3A_6 = tpu.iota {dimensions = array<i32: 1>} : vector<64x64xi32>
    %eq3A = arith.cmpi eq, %iota3A, %iota3A_6 : vector<64x64xi32>
    %convert_element_type3A = arith.extui %eq3A : vector<64x64xi1> to vector<64x64xi32>
    %convert_element_type3A_7 = arith.sitofp %convert_element_type3A : vector<64x64xi32> to vector<64x64xf32>
    %broadcast_in_dim3A = arith.constant 1.000000e+00 : f32
    %broadcast_in_dim3A_8 = vector.broadcast %broadcast_in_dim3A : f32 to vector<64x4096xf32>
    %get3A_9 = arith.constant 0 : index
    %get3A_10 = arith.constant 0 : index
    %get3A_11 = vector.load %arg5[%get3A_9, %get3A_10] : memref<1x64xf32, #tpu.memory_space<vmem>>, vector<1x64xf32>
    %get3A_12 = arith.constant 0 : index
    %get3A_13 = arith.constant 64 : index
    %get3A_14 = vector.load %arg3[%get3A_12, %get3A_13] : memref<64x128xf32, #tpu.memory_space<vmem>>, vector<64x64xf32>
    %dot_general3A_15 = arith.constant dense<0.000000e+00> : vector<1x64xf32>
    %dot_general3A_16 = tpu.matmul %get3A_11, %get3A_14, %dot_general3A_15 {dimension_numbers = #tpu.dot_dimension_numbers<[1], [1], [0], [0], [0, 0, 1, 0], [], []>, transpose_lhs_hint = false} : vector<1x64xf32>, vector<64x64xf32>, vector<1x64xf32> -> vector<1x64xf32>
    %get3A_17 = arith.constant 0 : index
    %get3A_18 = arith.constant 0 : index
    %get3A_19 = vector.load %arg6[%get3A_17, %get3A_18] : memref<1x64xf32, #tpu.memory_space<vmem>>, vector<1x64xf32>
    %add3A = arith.addf %dot_general3A_16, %get3A_19 : vector<1x64xf32>
    %get3A_20 = arith.constant 0 : index
    %get3A_21 = arith.constant 0 : index
    %get3A_22 = vector.load %arg2[%get3A_20, %get3A_21] : memref<2x4096xf32, #tpu.memory_space<vmem>>, vector<2x4096xf32>
    %dot_general3A_23 = arith.constant dense<0.000000e+00> : vector<64x4096xf32>
    %dot_general3A_24 = tpu.matmul %dot_general3A_5, %get3A_22, %dot_general3A_23 {dimension_numbers = #tpu.dot_dimension_numbers<[0], [0], [1], [1], [0, 1, 1, 1], [], []>, transpose_lhs_hint = false} : vector<2x64xf32>, vector<2x4096xf32>, vector<64x4096xf32> -> vector<64x4096xf32>
    %get3A_25 = arith.constant 0 : index
    %get3A_26 = arith.constant 0 : index
    %get3A_27 = vector.load %arg3[%get3A_25, %get3A_26] : memref<64x128xf32, #tpu.memory_space<vmem>>, vector<64x64xf32>
    %get3A_28 = arith.constant 0 : index
    %get3A_29 = arith.constant 0 : index
    %get3A_30 = vector.load %arg1[%get3A_28, %get3A_29] : memref<4096x128xf32, #tpu.memory_space<vmem>>, vector<4096x64xf32>
    %dot_general3A_31 = arith.constant dense<0.000000e+00> : vector<64x4096xf32>
    %dot_general3A_32 = tpu.matmul %get3A_27, %get3A_30, %dot_general3A_31 {dimension_numbers = #tpu.dot_dimension_numbers<[1], [1], [0], [0], [0, 0, 1, 0], [], []>, transpose_lhs_hint = false} : vector<64x64xf32>, vector<4096x64xf32>, vector<64x4096xf32> -> vector<64x4096xf32>
    %add3A_33 = arith.addf %dot_general3A_32, %dot_general3A_24 : vector<64x4096xf32>
    %mul3A = vector.broadcast %add3A : vector<1x64xf32> to vector<64x64xf32>
    %mul3A_34 = arith.mulf %convert_element_type3A_7, %mul3A : vector<64x64xf32>
    %dot_general3A_35 = arith.constant dense<0.000000e+00> : vector<64x4096xf32>
    %dot_general3A_36 = tpu.matmul %mul3A_34, %broadcast_in_dim3A_8, %dot_general3A_35 {dimension_numbers = #tpu.dot_dimension_numbers<[1], [0], [0], [1], [0, 0, 1, 1], [], []>, transpose_lhs_hint = false} : vector<64x64xf32>, vector<64x4096xf32>, vector<64x4096xf32> -> vector<64x4096xf32>
    %add3A_37 = arith.addf %add3A_33, %dot_general3A_36 : vector<64x4096xf32>
    %reduce_sum3A = arith.constant dense<0.000000e+00> : vector<4096xf32>
    %reduce_sum3A_38 = vector.multi_reduction <add>, %add3A_37, %reduce_sum3A [0] : vector<64x4096xf32> to vector<4096xf32>
    %broadcast_in_dim3A_39 = vector.shape_cast %reduce_sum3A_38 : vector<4096xf32> to vector<1x4096xf32>
    %div3A = arith.constant 6.400000e+01 : f32
    %div3A_40 = vector.broadcast %div3A : f32 to vector<1x4096xf32>
    %div3A_41 = arith.divf %broadcast_in_dim3A_39, %div3A_40 : vector<1x4096xf32>
    %sub3A = vector.broadcast %div3A_41 : vector<1x4096xf32> to vector<64x4096xf32>
    %sub3A_42 = arith.subf %add3A_37, %sub3A : vector<64x4096xf32>
    %mul3A_43 = arith.mulf %sub3A_42, %sub3A_42 : vector<64x4096xf32>
    %reduce_sum3A_44 = arith.constant dense<0.000000e+00> : vector<4096xf32>
    %reduce_sum3A_45 = vector.multi_reduction <add>, %mul3A_43, %reduce_sum3A_44 [0] : vector<64x4096xf32> to vector<4096xf32>
    %broadcast_in_dim3A_46 = vector.shape_cast %reduce_sum3A_45 : vector<4096xf32> to vector<1x4096xf32>
    %div3A_47 = arith.constant 6.400000e+01 : f32
    %div3A_48 = vector.broadcast %div3A_47 : f32 to vector<1x4096xf32>
    %div3A_49 = arith.divf %broadcast_in_dim3A_46, %div3A_48 : vector<1x4096xf32>
    %add3A_50 = arith.constant 9.99999974E-6 : f32
    %add3A_51 = vector.broadcast %add3A_50 : f32 to vector<1x4096xf32>
    %add3A_52 = arith.addf %div3A_49, %add3A_51 : vector<1x4096xf32>
    %rsqrt3A = math.rsqrt %add3A_52 : vector<1x4096xf32>
    %mul3A_53 = vector.broadcast %rsqrt3A : vector<1x4096xf32> to vector<64x4096xf32>
    %mul3A_54 = arith.mulf %sub3A_42, %mul3A_53 : vector<64x4096xf32>
    %get3A_55 = arith.constant 0 : index
    %get3A_56 = arith.constant 0 : index
    %get3A_57 = vector.load %arg7[%get3A_55, %get3A_56] : memref<1x64xf32, #tpu.memory_space<vmem>>, vector<1x64xf32>
    %mul3A_58 = vector.broadcast %get3A_57 : vector<1x64xf32> to vector<64x64xf32>
    %mul3A_59 = arith.mulf %convert_element_type3A_7, %mul3A_58 : vector<64x64xf32>
    %dot_general3A_60 = arith.constant dense<0.000000e+00> : vector<64x4096xf32>
    %dot_general3A_61 = tpu.matmul %mul3A_59, %mul3A_54, %dot_general3A_60 {dimension_numbers = #tpu.dot_dimension_numbers<[1], [0], [0], [1], [0, 0, 1, 1], [], []>, transpose_lhs_hint = false} : vector<64x64xf32>, vector<64x4096xf32>, vector<64x4096xf32> -> vector<64x4096xf32>
    %get3A_62 = arith.constant 0 : index
    %get3A_63 = arith.constant 0 : index
    %get3A_64 = vector.load %arg8[%get3A_62, %get3A_63] : memref<1x64xf32, #tpu.memory_space<vmem>>, vector<1x64xf32>
    %mul3A_65 = vector.broadcast %get3A_64 : vector<1x64xf32> to vector<64x64xf32>
    %mul3A_66 = arith.mulf %convert_element_type3A_7, %mul3A_65 : vector<64x64xf32>
    %dot_general3A_67 = arith.constant dense<0.000000e+00> : vector<64x4096xf32>
    %dot_general3A_68 = tpu.matmul %mul3A_66, %broadcast_in_dim3A_8, %dot_general3A_67 {dimension_numbers = #tpu.dot_dimension_numbers<[1], [0], [0], [1], [0, 0, 1, 1], [], []>, transpose_lhs_hint = false} : vector<64x64xf32>, vector<64x4096xf32>, vector<64x4096xf32> -> vector<64x4096xf32>
    %add3A_69 = arith.addf %dot_general3A_61, %dot_general3A_68 : vector<64x4096xf32>
    %swap3A = arith.constant 0 : index
    %swap3A_70 = arith.constant 0 : index
    %swap3A_71 = arith.constant 0 : index
    %swap3A_72 = vector.load %arg10[%swap3A, %swap3A_70, %swap3A_71] : memref<1x64x4096xf32, #tpu.memory_space<vmem>>, vector<1x64x4096xf32>
    %swap3A_73 = vector.shape_cast %swap3A_72 : vector<1x64x4096xf32> to vector<64x4096xf32>
    %swap3A_74 = vector.shape_cast %add3A_69 : vector<64x4096xf32> to vector<1x64x4096xf32>
    tpu.vector_store %arg10[%swap3A, %swap3A_70, %swap3A_71], %swap3A_74 {strides = array<i32>} : memref<1x64x4096xf32, #tpu.memory_space<vmem>>, vector<1x64x4096xf32>,
    return
  }
  func.func @transform_0(%arg0: i32) -> (i32, i32) {
    %c0_i32 = arith.constant 0 : i32
    %c0_i32_0 = arith.constant 0 : i32
    return %arg0, %c0_i32 : i32, i32
  }
  func.func @transform_1(%arg0: i32) -> (i32, i32) {
    %add3A = arith.constant 25 : i32
    %add3A_0 = arith.addi %add3A, %arg0 : i32
    %c0_i32 = arith.constant 0 : i32
    %c0_i32_1 = arith.constant 0 : i32
    return %c0_i32, %add3A_0 : i32, i32
  }
  func.func @transform_2(%arg0: i32) -> (i32, i32) {
    %c0_i32 = arith.constant 0 : i32
    %c0_i32_0 = arith.constant 0 : i32
    %c0_i32_1 = arith.constant 0 : i32
    return %c0_i32, %c0_i32_0 : i32, i32
  }
  func.func @transform_3(%arg0: i32) -> (i32, i32) {
    %c0_i32 = arith.constant 0 : i32
    %c0_i32_0 = arith.constant 0 : i32
    %c0_i32_1 = arith.constant 0 : i32
    return %c0_i32, %c0_i32_0 : i32, i32
  }
  func.func @transform_4(%arg0: i32) -> (i32, i32) {
    %c0_i32 = arith.constant 0 : i32
    %c0_i32_0 = arith.constant 0 : i32
    %c0_i32_1 = arith.constant 0 : i32
    return %c0_i32, %c0_i32_0 : i32, i32
  }
  func.func @transform_5(%arg0: i32) -> (i32, i32) {
    %c0_i32 = arith.constant 0 : i32
    %c0_i32_0 = arith.constant 0 : i32
    %c0_i32_1 = arith.constant 0 : i32
    return %c0_i32, %c0_i32_0 : i32, i32
  }
  func.func @transform_6(%arg0: i32) -> (i32, i32) {
    %c0_i32 = arith.constant 0 : i32
    %c0_i32_0 = arith.constant 0 : i32
    %c0_i32_1 = arith.constant 0 : i32
    return %c0_i32, %c0_i32_0 : i32, i32
  }
  func.func @transform_7(%arg0: i32) -> (i32, i32) {
    %c0_i32 = arith.constant 0 : i32
    %c0_i32_0 = arith.constant 0 : i32
    %c0_i32_1 = arith.constant 0 : i32
    return %c0_i32, %c0_i32_0 : i32, i32
  }
  func.func @transform_9(%arg0: i32) -> (i32, i32, i32) {
    %add3A = arith.constant 25 : i32
    %add3A_0 = arith.addi %add3A, %arg0 : i32
    %c0_i32 = arith.constant 0 : i32
    %c0_i32_1 = arith.constant 0 : i32
    %c0_i32_2 = arith.constant 0 : i32
    return %add3A_0, %c0_i32, %c0_i32_1 : i32, i32, i32
  }
}

module attributes {stable_mosaic.version = 14 : i64} {
  func.func @_tc_body_chained(%arg0: i32, %arg1: memref<4096x128xf32, #tpu.memory_space<vmem>>, %arg2: memref<2x4096xf32, #tpu.memory_space<vmem>>, %arg3: memref<64x128xf32, #tpu.memory_space<vmem>>, %arg4: memref<64x2xf32, #tpu.memory_space<vmem>>, %arg5: memref<1x64xf32, #tpu.memory_space<vmem>>, %arg6: memref<1x64xf32, #tpu.memory_space<vmem>>, %arg7: memref<1x64xf32, #tpu.memory_space<vmem>>, %arg8: memref<1x64xf32, #tpu.memory_space<vmem>>, %arg9: memref<100x64x4096xf32, #tpu.memory_space<any>>, %arg10: memref<1x64x4096xf32, #tpu.memory_space<vmem>>) attributes {dimension_semantics = [#tpu.dimension_semantics<arbitrary>], iteration_bounds = array<i64: 25>, scalar_prefetch = 0 : i64, scratch_operands = 0 : i64, tpu.core_type = #tpu.core_type<tc>, window_params = [{transform_indices = @transform_0, window_bounds = array<i64: 4096, 128>}, {transform_indices = @transform_1, window_bounds = array<i64: 2, 4096>}, {pipeline_mode = #tpu.pipeline_mode<synchronous>, transform_indices = @transform_2, window_bounds = array<i64: 64, 128>}, {pipeline_mode = #tpu.pipeline_mode<synchronous>, transform_indices = @transform_3, window_bounds = array<i64: 64, 2>}, {pipeline_mode = #tpu.pipeline_mode<synchronous>, transform_indices = @transform_4, window_bounds = array<i64: 1, 64>}, {pipeline_mode = #tpu.pipeline_mode<synchronous>, transform_indices = @transform_5, window_bounds = array<i64: 1, 64>}, {pipeline_mode = #tpu.pipeline_mode<synchronous>, transform_indices = @transform_6, window_bounds = array<i64: 1, 64>}, {pipeline_mode = #tpu.pipeline_mode<synchronous>, transform_indices = @transform_7, window_bounds = array<i64: 1, 64>}, {}, {transform_indices = @transform_9, window_bounds = array<i64: 1, 64, 4096>}]} {
    %get3A = arith.constant 0 : index
    %get3A_0 = arith.constant 0 : index
    %get3A_1 = vector.load %arg4[%get3A, %get3A_0] : memref<64x2xf32, #tpu.memory_space<vmem>>, vector<64x2xf32>
    %get3A_2 = arith.constant 0 : index
    %get3A_3 = arith.constant 64 : index
    %get3A_4 = vector.load %arg3[%get3A_2, %get3A_3] : memref<64x128xf32, #tpu.memory_space<vmem>>, vector<64x64xf32>
    %dot_general3A = arith.constant dense<0.000000e+00> : vector<2x64xf32>
    %dot_general3A_5 = tpu.matmul %get3A_1, %get3A_4, %dot_general3A {dimension_numbers = #tpu.dot_dimension_numbers<[0], [1], [1], [0], [0, 1, 1, 0], [], []>, transpose_lhs_hint = false} : vector<64x2xf32>, vector<64x64xf32>, vector<2x64xf32> -> vector<2x64xf32>
    %iota3A = tpu.iota {dimensions = array<i32: 0>} : vector<64x64xi32>
    %iota3A_6 = tpu.iota {dimensions = array<i32: 1>} : vector<64x64xi32>
    %eq3A = arith.cmpi eq, %iota3A, %iota3A_6 : vector<64x64xi32>
    %convert_element_type3A = arith.extui %eq3A : vector<64x64xi1> to vector<64x64xi32>
    %convert_element_type3A_7 = arith.sitofp %convert_element_type3A : vector<64x64xi32> to vector<64x64xf32>
    %broadcast_in_dim3A = arith.constant 1.000000e+00 : f32
    %broadcast_in_dim3A_8 = vector.broadcast %broadcast_in_dim3A : f32 to vector<64x4096xf32>
    %get3A_9 = arith.constant 0 : index
    %get3A_10 = arith.constant 0 : index
    %get3A_11 = vector.load %arg5[%get3A_9, %get3A_10] : memref<1x64xf32, #tpu.memory_space<vmem>>, vector<1x64xf32>
    %get3A_12 = arith.constant 0 : index
    %get3A_13 = arith.constant 64 : index
    %get3A_14 = vector.load %arg3[%get3A_12, %get3A_13] : memref<64x128xf32, #tpu.memory_space<vmem>>, vector<64x64xf32>
    %dot_general3A_15 = arith.constant dense<0.000000e+00> : vector<1x64xf32>
    %dot_general3A_16 = tpu.matmul %get3A_11, %get3A_14, %dot_general3A_15 {dimension_numbers = #tpu.dot_dimension_numbers<[1], [1], [0], [0], [0, 0, 1, 0], [], []>, transpose_lhs_hint = false} : vector<1x64xf32>, vector<64x64xf32>, vector<1x64xf32> -> vector<1x64xf32>
    %get3A_17 = arith.constant 0 : index
    %get3A_18 = arith.constant 0 : index
    %get3A_19 = vector.load %arg6[%get3A_17, %get3A_18] : memref<1x64xf32, #tpu.memory_space<vmem>>, vector<1x64xf32>
    %add3A = arith.addf %dot_general3A_16, %get3A_19 : vector<1x64xf32>
    %get3A_20 = arith.constant 0 : index
    %get3A_21 = arith.constant 0 : index
    %get3A_22 = vector.load %arg2[%get3A_20, %get3A_21] : memref<2x4096xf32, #tpu.memory_space<vmem>>, vector<2x4096xf32>
    %dot_general3A_23 = arith.constant dense<0.000000e+00> : vector<64x4096xf32>
    %dot_general3A_24 = tpu.matmul %dot_general3A_5, %get3A_22, %dot_general3A_23 {dimension_numbers = #tpu.dot_dimension_numbers<[0], [0], [1], [1], [0, 1, 1, 1], [], []>, transpose_lhs_hint = false} : vector<2x64xf32>, vector<2x4096xf32>, vector<64x4096xf32> -> vector<64x4096xf32>
    %get3A_25 = arith.constant 0 : index
    %get3A_26 = arith.constant 0 : index
    %get3A_27 = vector.load %arg3[%get3A_25, %get3A_26] : memref<64x128xf32, #tpu.memory_space<vmem>>, vector<64x64xf32>
    %get3A_28 = arith.constant 0 : index
    %get3A_29 = arith.constant 0 : index
    %get3A_30 = vector.load %arg1[%get3A_28, %get3A_29] : memref<4096x128xf32, #tpu.memory_space<vmem>>, vector<4096x64xf32>
    %dot_general3A_31 = arith.constant dense<0.000000e+00> : vector<64x4096xf32>
    %dot_general3A_32 = tpu.matmul %get3A_27, %get3A_30, %dot_general3A_31 {dimension_numbers = #tpu.dot_dimension_numbers<[1], [1], [0], [0], [0, 0, 1, 0], [], []>, transpose_lhs_hint = false} : vector<64x64xf32>, vector<4096x64xf32>, vector<64x4096xf32> -> vector<64x4096xf32>
    %add3A_33 = arith.addf %dot_general3A_32, %dot_general3A_24 : vector<64x4096xf32>
    %mul3A = vector.broadcast %add3A : vector<1x64xf32> to vector<64x64xf32>
    %mul3A_34 = arith.mulf %convert_element_type3A_7, %mul3A : vector<64x64xf32>
    %dot_general3A_35 = arith.constant dense<0.000000e+00> : vector<64x4096xf32>
    %dot_general3A_36 = tpu.matmul %mul3A_34, %broadcast_in_dim3A_8, %dot_general3A_35 {dimension_numbers = #tpu.dot_dimension_numbers<[1], [0], [0], [1], [0, 0, 1, 1], [], []>, transpose_lhs_hint = false} : vector<64x64xf32>, vector<64x4096xf32>, vector<64x4096xf32> -> vector<64x4096xf32>
    %add3A_37 = arith.addf %add3A_33, %dot_general3A_36 : vector<64x4096xf32>
    %reduce_sum3A = arith.constant dense<0.000000e+00> : vector<4096xf32>
    %reduce_sum3A_38 = vector.multi_reduction <add>, %add3A_37, %reduce_sum3A [0] : vector<64x4096xf32> to vector<4096xf32>
    %broadcast_in_dim3A_39 = vector.shape_cast %reduce_sum3A_38 : vector<4096xf32> to vector<1x4096xf32>
    %div3A = arith.constant 6.400000e+01 : f32
    %div3A_40 = vector.broadcast %div3A : f32 to vector<1x4096xf32>
    %div3A_41 = arith.divf %broadcast_in_dim3A_39, %div3A_40 : vector<1x4096xf32>
    %sub3A = vector.broadcast %div3A_41 : vector<1x4096xf32> to vector<64x4096xf32>
    %sub3A_42 = arith.subf %add3A_37, %sub3A : vector<64x4096xf32>
    %mul3A_43 = arith.mulf %sub3A_42, %sub3A_42 : vector<64x4096xf32>
    %reduce_sum3A_44 = arith.constant dense<0.000000e+00> : vector<4096xf32>
    %reduce_sum3A_45 = vector.multi_reduction <add>, %mul3A_43, %reduce_sum3A_44 [0] : vector<64x4096xf32> to vector<4096xf32>
    %broadcast_in_dim3A_46 = vector.shape_cast %reduce_sum3A_45 : vector<4096xf32> to vector<1x4096xf32>
    %div3A_47 = arith.constant 6.400000e+01 : f32
    %div3A_48 = vector.broadcast %div3A_47 : f32 to vector<1x4096xf32>
    %div3A_49 = arith.divf %broadcast_in_dim3A_46, %div3A_48 : vector<1x4096xf32>
    %add3A_50 = arith.constant 9.99999974E-6 : f32
    %add3A_51 = vector.broadcast %add3A_50 : f32 to vector<1x4096xf32>
    %add3A_52 = arith.addf %div3A_49, %add3A_51 : vector<1x4096xf32>
    %rsqrt3A = math.rsqrt %add3A_52 : vector<1x4096xf32>
    %mul3A_53 = vector.broadcast %rsqrt3A : vector<1x4096xf32> to vector<64x4096xf32>
    %mul3A_54 = arith.mulf %sub3A_42, %mul3A_53 : vector<64x4096xf32>
    %get3A_55 = arith.constant 0 : index
    %get3A_56 = arith.constant 0 : index
    %get3A_57 = vector.load %arg7[%get3A_55, %get3A_56] : memref<1x64xf32, #tpu.memory_space<vmem>>, vector<1x64xf32>
    %mul3A_58 = vector.broadcast %get3A_57 : vector<1x64xf32> to vector<64x64xf32>
    %mul3A_59 = arith.mulf %convert_element_type3A_7, %mul3A_58 : vector<64x64xf32>
    %dot_general3A_60 = arith.constant dense<0.000000e+00> : vector<64x4096xf32>
    %dot_general3A_61 = tpu.matmul %mul3A_59, %mul3A_54, %dot_general3A_60 {dimension_numbers = #tpu.dot_dimension_numbers<[1], [0], [0], [1], [0, 0, 1, 1], [], []>, transpose_lhs_hint = false} : vector<64x64xf32>, vector<64x4096xf32>, vector<64x4096xf32> -> vector<64x4096xf32>
    %get3A_62 = arith.constant 0 : index
    %get3A_63 = arith.constant 0 : index
    %get3A_64 = vector.load %arg8[%get3A_62, %get3A_63] : memref<1x64xf32, #tpu.memory_space<vmem>>, vector<1x64xf32>
    %mul3A_65 = vector.broadcast %get3A_64 : vector<1x64xf32> to vector<64x64xf32>
    %mul3A_66 = arith.mulf %convert_element_type3A_7, %mul3A_65 : vector<64x64xf32>
    %dot_general3A_67 = arith.constant dense<0.000000e+00> : vector<64x4096xf32>
    %dot_general3A_68 = tpu.matmul %mul3A_66, %broadcast_in_dim3A_8, %dot_general3A_67 {dimension_numbers = #tpu.dot_dimension_numbers<[1], [0], [0], [1], [0, 0, 1, 1], [], []>, transpose_lhs_hint = false} : vector<64x64xf32>, vector<64x4096xf32>, vector<64x4096xf32> -> vector<64x4096xf32>
    %add3A_69 = arith.addf %dot_general3A_61, %dot_general3A_68 : vector<64x4096xf32>
    %swap3A = arith.constant 0 : index
    %swap3A_70 = arith.constant 0 : index
    %swap3A_71 = arith.constant 0 : index
    %swap3A_72 = vector.load %arg10[%swap3A, %swap3A_70, %swap3A_71] : memref<1x64x4096xf32, #tpu.memory_space<vmem>>, vector<1x64x4096xf32>
    %swap3A_73 = vector.shape_cast %swap3A_72 : vector<1x64x4096xf32> to vector<64x4096xf32>
    %swap3A_74 = vector.shape_cast %add3A_69 : vector<64x4096xf32> to vector<1x64x4096xf32>
    tpu.vector_store %arg10[%swap3A, %swap3A_70, %swap3A_71], %swap3A_74 {strides = array<i32>} : memref<1x64x4096xf32, #tpu.memory_space<vmem>>, vector<1x64x4096xf32>,
    return
  }
  func.func @transform_0(%arg0: i32) -> (i32, i32) {
    %c0_i32 = arith.constant 0 : i32
    %c0_i32_0 = arith.constant 0 : i32
    return %arg0, %c0_i32 : i32, i32
  }
  func.func @transform_1(%arg0: i32) -> (i32, i32) {
    %add3A = arith.constant 50 : i32
    %add3A_0 = arith.addi %add3A, %arg0 : i32
    %c0_i32 = arith.constant 0 : i32
    %c0_i32_1 = arith.constant 0 : i32
    return %c0_i32, %add3A_0 : i32, i32
  }
  func.func @transform_2(%arg0: i32) -> (i32, i32) {
    %c0_i32 = arith.constant 0 : i32
    %c0_i32_0 = arith.constant 0 : i32
    %c0_i32_1 = arith.constant 0 : i32
    return %c0_i32, %c0_i32_0 : i32, i32
  }
  func.func @transform_3(%arg0: i32) -> (i32, i32) {
    %c0_i32 = arith.constant 0 : i32
    %c0_i32_0 = arith.constant 0 : i32
    %c0_i32_1 = arith.constant 0 : i32
    return %c0_i32, %c0_i32_0 : i32, i32
  }
  func.func @transform_4(%arg0: i32) -> (i32, i32) {
    %c0_i32 = arith.constant 0 : i32
    %c0_i32_0 = arith.constant 0 : i32
    %c0_i32_1 = arith.constant 0 : i32
    return %c0_i32, %c0_i32_0 : i32, i32
  }
  func.func @transform_5(%arg0: i32) -> (i32, i32) {
    %c0_i32 = arith.constant 0 : i32
    %c0_i32_0 = arith.constant 0 : i32
    %c0_i32_1 = arith.constant 0 : i32
    return %c0_i32, %c0_i32_0 : i32, i32
  }
  func.func @transform_6(%arg0: i32) -> (i32, i32) {
    %c0_i32 = arith.constant 0 : i32
    %c0_i32_0 = arith.constant 0 : i32
    %c0_i32_1 = arith.constant 0 : i32
    return %c0_i32, %c0_i32_0 : i32, i32
  }
  func.func @transform_7(%arg0: i32) -> (i32, i32) {
    %c0_i32 = arith.constant 0 : i32
    %c0_i32_0 = arith.constant 0 : i32
    %c0_i32_1 = arith.constant 0 : i32
    return %c0_i32, %c0_i32_0 : i32, i32
  }
  func.func @transform_9(%arg0: i32) -> (i32, i32, i32) {
    %add3A = arith.constant 50 : i32
    %add3A_0 = arith.addi %add3A, %arg0 : i32
    %c0_i32 = arith.constant 0 : i32
    %c0_i32_1 = arith.constant 0 : i32
    %c0_i32_2 = arith.constant 0 : i32
    return %add3A_0, %c0_i32, %c0_i32_1 : i32, i32, i32
  }
}

module attributes {stable_mosaic.version = 14 : i64} {
  func.func @_tc_body_chained(%arg0: i32, %arg1: memref<4096x128xf32, #tpu.memory_space<vmem>>, %arg2: memref<2x4096xf32, #tpu.memory_space<vmem>>, %arg3: memref<64x128xf32, #tpu.memory_space<vmem>>, %arg4: memref<64x2xf32, #tpu.memory_space<vmem>>, %arg5: memref<1x64xf32, #tpu.memory_space<vmem>>, %arg6: memref<1x64xf32, #tpu.memory_space<vmem>>, %arg7: memref<1x64xf32, #tpu.memory_space<vmem>>, %arg8: memref<1x64xf32, #tpu.memory_space<vmem>>, %arg9: memref<100x64x4096xf32, #tpu.memory_space<any>>, %arg10: memref<1x64x4096xf32, #tpu.memory_space<vmem>>) attributes {dimension_semantics = [#tpu.dimension_semantics<arbitrary>], iteration_bounds = array<i64: 25>, scalar_prefetch = 0 : i64, scratch_operands = 0 : i64, tpu.core_type = #tpu.core_type<tc>, window_params = [{transform_indices = @transform_0, window_bounds = array<i64: 4096, 128>}, {transform_indices = @transform_1, window_bounds = array<i64: 2, 4096>}, {pipeline_mode = #tpu.pipeline_mode<synchronous>, transform_indices = @transform_2, window_bounds = array<i64: 64, 128>}, {pipeline_mode = #tpu.pipeline_mode<synchronous>, transform_indices = @transform_3, window_bounds = array<i64: 64, 2>}, {pipeline_mode = #tpu.pipeline_mode<synchronous>, transform_indices = @transform_4, window_bounds = array<i64: 1, 64>}, {pipeline_mode = #tpu.pipeline_mode<synchronous>, transform_indices = @transform_5, window_bounds = array<i64: 1, 64>}, {pipeline_mode = #tpu.pipeline_mode<synchronous>, transform_indices = @transform_6, window_bounds = array<i64: 1, 64>}, {pipeline_mode = #tpu.pipeline_mode<synchronous>, transform_indices = @transform_7, window_bounds = array<i64: 1, 64>}, {}, {transform_indices = @transform_9, window_bounds = array<i64: 1, 64, 4096>}]} {
    %get3A = arith.constant 0 : index
    %get3A_0 = arith.constant 0 : index
    %get3A_1 = vector.load %arg4[%get3A, %get3A_0] : memref<64x2xf32, #tpu.memory_space<vmem>>, vector<64x2xf32>
    %get3A_2 = arith.constant 0 : index
    %get3A_3 = arith.constant 64 : index
    %get3A_4 = vector.load %arg3[%get3A_2, %get3A_3] : memref<64x128xf32, #tpu.memory_space<vmem>>, vector<64x64xf32>
    %dot_general3A = arith.constant dense<0.000000e+00> : vector<2x64xf32>
    %dot_general3A_5 = tpu.matmul %get3A_1, %get3A_4, %dot_general3A {dimension_numbers = #tpu.dot_dimension_numbers<[0], [1], [1], [0], [0, 1, 1, 0], [], []>, transpose_lhs_hint = false} : vector<64x2xf32>, vector<64x64xf32>, vector<2x64xf32> -> vector<2x64xf32>
    %iota3A = tpu.iota {dimensions = array<i32: 0>} : vector<64x64xi32>
    %iota3A_6 = tpu.iota {dimensions = array<i32: 1>} : vector<64x64xi32>
    %eq3A = arith.cmpi eq, %iota3A, %iota3A_6 : vector<64x64xi32>
    %convert_element_type3A = arith.extui %eq3A : vector<64x64xi1> to vector<64x64xi32>
    %convert_element_type3A_7 = arith.sitofp %convert_element_type3A : vector<64x64xi32> to vector<64x64xf32>
    %broadcast_in_dim3A = arith.constant 1.000000e+00 : f32
    %broadcast_in_dim3A_8 = vector.broadcast %broadcast_in_dim3A : f32 to vector<64x4096xf32>
    %get3A_9 = arith.constant 0 : index
    %get3A_10 = arith.constant 0 : index
    %get3A_11 = vector.load %arg5[%get3A_9, %get3A_10] : memref<1x64xf32, #tpu.memory_space<vmem>>, vector<1x64xf32>
    %get3A_12 = arith.constant 0 : index
    %get3A_13 = arith.constant 64 : index
    %get3A_14 = vector.load %arg3[%get3A_12, %get3A_13] : memref<64x128xf32, #tpu.memory_space<vmem>>, vector<64x64xf32>
    %dot_general3A_15 = arith.constant dense<0.000000e+00> : vector<1x64xf32>
    %dot_general3A_16 = tpu.matmul %get3A_11, %get3A_14, %dot_general3A_15 {dimension_numbers = #tpu.dot_dimension_numbers<[1], [1], [0], [0], [0, 0, 1, 0], [], []>, transpose_lhs_hint = false} : vector<1x64xf32>, vector<64x64xf32>, vector<1x64xf32> -> vector<1x64xf32>
    %get3A_17 = arith.constant 0 : index
    %get3A_18 = arith.constant 0 : index
    %get3A_19 = vector.load %arg6[%get3A_17, %get3A_18] : memref<1x64xf32, #tpu.memory_space<vmem>>, vector<1x64xf32>
    %add3A = arith.addf %dot_general3A_16, %get3A_19 : vector<1x64xf32>
    %get3A_20 = arith.constant 0 : index
    %get3A_21 = arith.constant 0 : index
    %get3A_22 = vector.load %arg2[%get3A_20, %get3A_21] : memref<2x4096xf32, #tpu.memory_space<vmem>>, vector<2x4096xf32>
    %dot_general3A_23 = arith.constant dense<0.000000e+00> : vector<64x4096xf32>
    %dot_general3A_24 = tpu.matmul %dot_general3A_5, %get3A_22, %dot_general3A_23 {dimension_numbers = #tpu.dot_dimension_numbers<[0], [0], [1], [1], [0, 1, 1, 1], [], []>, transpose_lhs_hint = false} : vector<2x64xf32>, vector<2x4096xf32>, vector<64x4096xf32> -> vector<64x4096xf32>
    %get3A_25 = arith.constant 0 : index
    %get3A_26 = arith.constant 0 : index
    %get3A_27 = vector.load %arg3[%get3A_25, %get3A_26] : memref<64x128xf32, #tpu.memory_space<vmem>>, vector<64x64xf32>
    %get3A_28 = arith.constant 0 : index
    %get3A_29 = arith.constant 0 : index
    %get3A_30 = vector.load %arg1[%get3A_28, %get3A_29] : memref<4096x128xf32, #tpu.memory_space<vmem>>, vector<4096x64xf32>
    %dot_general3A_31 = arith.constant dense<0.000000e+00> : vector<64x4096xf32>
    %dot_general3A_32 = tpu.matmul %get3A_27, %get3A_30, %dot_general3A_31 {dimension_numbers = #tpu.dot_dimension_numbers<[1], [1], [0], [0], [0, 0, 1, 0], [], []>, transpose_lhs_hint = false} : vector<64x64xf32>, vector<4096x64xf32>, vector<64x4096xf32> -> vector<64x4096xf32>
    %add3A_33 = arith.addf %dot_general3A_32, %dot_general3A_24 : vector<64x4096xf32>
    %mul3A = vector.broadcast %add3A : vector<1x64xf32> to vector<64x64xf32>
    %mul3A_34 = arith.mulf %convert_element_type3A_7, %mul3A : vector<64x64xf32>
    %dot_general3A_35 = arith.constant dense<0.000000e+00> : vector<64x4096xf32>
    %dot_general3A_36 = tpu.matmul %mul3A_34, %broadcast_in_dim3A_8, %dot_general3A_35 {dimension_numbers = #tpu.dot_dimension_numbers<[1], [0], [0], [1], [0, 0, 1, 1], [], []>, transpose_lhs_hint = false} : vector<64x64xf32>, vector<64x4096xf32>, vector<64x4096xf32> -> vector<64x4096xf32>
    %add3A_37 = arith.addf %add3A_33, %dot_general3A_36 : vector<64x4096xf32>
    %reduce_sum3A = arith.constant dense<0.000000e+00> : vector<4096xf32>
    %reduce_sum3A_38 = vector.multi_reduction <add>, %add3A_37, %reduce_sum3A [0] : vector<64x4096xf32> to vector<4096xf32>
    %broadcast_in_dim3A_39 = vector.shape_cast %reduce_sum3A_38 : vector<4096xf32> to vector<1x4096xf32>
    %div3A = arith.constant 6.400000e+01 : f32
    %div3A_40 = vector.broadcast %div3A : f32 to vector<1x4096xf32>
    %div3A_41 = arith.divf %broadcast_in_dim3A_39, %div3A_40 : vector<1x4096xf32>
    %sub3A = vector.broadcast %div3A_41 : vector<1x4096xf32> to vector<64x4096xf32>
    %sub3A_42 = arith.subf %add3A_37, %sub3A : vector<64x4096xf32>
    %mul3A_43 = arith.mulf %sub3A_42, %sub3A_42 : vector<64x4096xf32>
    %reduce_sum3A_44 = arith.constant dense<0.000000e+00> : vector<4096xf32>
    %reduce_sum3A_45 = vector.multi_reduction <add>, %mul3A_43, %reduce_sum3A_44 [0] : vector<64x4096xf32> to vector<4096xf32>
    %broadcast_in_dim3A_46 = vector.shape_cast %reduce_sum3A_45 : vector<4096xf32> to vector<1x4096xf32>
    %div3A_47 = arith.constant 6.400000e+01 : f32
    %div3A_48 = vector.broadcast %div3A_47 : f32 to vector<1x4096xf32>
    %div3A_49 = arith.divf %broadcast_in_dim3A_46, %div3A_48 : vector<1x4096xf32>
    %add3A_50 = arith.constant 9.99999974E-6 : f32
    %add3A_51 = vector.broadcast %add3A_50 : f32 to vector<1x4096xf32>
    %add3A_52 = arith.addf %div3A_49, %add3A_51 : vector<1x4096xf32>
    %rsqrt3A = math.rsqrt %add3A_52 : vector<1x4096xf32>
    %mul3A_53 = vector.broadcast %rsqrt3A : vector<1x4096xf32> to vector<64x4096xf32>
    %mul3A_54 = arith.mulf %sub3A_42, %mul3A_53 : vector<64x4096xf32>
    %get3A_55 = arith.constant 0 : index
    %get3A_56 = arith.constant 0 : index
    %get3A_57 = vector.load %arg7[%get3A_55, %get3A_56] : memref<1x64xf32, #tpu.memory_space<vmem>>, vector<1x64xf32>
    %mul3A_58 = vector.broadcast %get3A_57 : vector<1x64xf32> to vector<64x64xf32>
    %mul3A_59 = arith.mulf %convert_element_type3A_7, %mul3A_58 : vector<64x64xf32>
    %dot_general3A_60 = arith.constant dense<0.000000e+00> : vector<64x4096xf32>
    %dot_general3A_61 = tpu.matmul %mul3A_59, %mul3A_54, %dot_general3A_60 {dimension_numbers = #tpu.dot_dimension_numbers<[1], [0], [0], [1], [0, 0, 1, 1], [], []>, transpose_lhs_hint = false} : vector<64x64xf32>, vector<64x4096xf32>, vector<64x4096xf32> -> vector<64x4096xf32>
    %get3A_62 = arith.constant 0 : index
    %get3A_63 = arith.constant 0 : index
    %get3A_64 = vector.load %arg8[%get3A_62, %get3A_63] : memref<1x64xf32, #tpu.memory_space<vmem>>, vector<1x64xf32>
    %mul3A_65 = vector.broadcast %get3A_64 : vector<1x64xf32> to vector<64x64xf32>
    %mul3A_66 = arith.mulf %convert_element_type3A_7, %mul3A_65 : vector<64x64xf32>
    %dot_general3A_67 = arith.constant dense<0.000000e+00> : vector<64x4096xf32>
    %dot_general3A_68 = tpu.matmul %mul3A_66, %broadcast_in_dim3A_8, %dot_general3A_67 {dimension_numbers = #tpu.dot_dimension_numbers<[1], [0], [0], [1], [0, 0, 1, 1], [], []>, transpose_lhs_hint = false} : vector<64x64xf32>, vector<64x4096xf32>, vector<64x4096xf32> -> vector<64x4096xf32>
    %add3A_69 = arith.addf %dot_general3A_61, %dot_general3A_68 : vector<64x4096xf32>
    %swap3A = arith.constant 0 : index
    %swap3A_70 = arith.constant 0 : index
    %swap3A_71 = arith.constant 0 : index
    %swap3A_72 = vector.load %arg10[%swap3A, %swap3A_70, %swap3A_71] : memref<1x64x4096xf32, #tpu.memory_space<vmem>>, vector<1x64x4096xf32>
    %swap3A_73 = vector.shape_cast %swap3A_72 : vector<1x64x4096xf32> to vector<64x4096xf32>
    %swap3A_74 = vector.shape_cast %add3A_69 : vector<64x4096xf32> to vector<1x64x4096xf32>
    tpu.vector_store %arg10[%swap3A, %swap3A_70, %swap3A_71], %swap3A_74 {strides = array<i32>} : memref<1x64x4096xf32, #tpu.memory_space<vmem>>, vector<1x64x4096xf32>,
    return
  }
  func.func @transform_0(%arg0: i32) -> (i32, i32) {
    %c0_i32 = arith.constant 0 : i32
    %c0_i32_0 = arith.constant 0 : i32
    return %arg0, %c0_i32 : i32, i32
  }
  func.func @transform_1(%arg0: i32) -> (i32, i32) {
    %add3A = arith.constant 75 : i32
    %add3A_0 = arith.addi %add3A, %arg0 : i32
    %c0_i32 = arith.constant 0 : i32
    %c0_i32_1 = arith.constant 0 : i32
    return %c0_i32, %add3A_0 : i32, i32
  }
  func.func @transform_2(%arg0: i32) -> (i32, i32) {
    %c0_i32 = arith.constant 0 : i32
    %c0_i32_0 = arith.constant 0 : i32
    %c0_i32_1 = arith.constant 0 : i32
    return %c0_i32, %c0_i32_0 : i32, i32
  }
  func.func @transform_3(%arg0: i32) -> (i32, i32) {
    %c0_i32 = arith.constant 0 : i32
    %c0_i32_0 = arith.constant 0 : i32
    %c0_i32_1 = arith.constant 0 : i32
    return %c0_i32, %c0_i32_0 : i32, i32
  }
  func.func @transform_4(%arg0: i32) -> (i32, i32) {
    %c0_i32 = arith.constant 0 : i32
    %c0_i32_0 = arith.constant 0 : i32
    %c0_i32_1 = arith.constant 0 : i32
    return %c0_i32, %c0_i32_0 : i32, i32
  }
  func.func @transform_5(%arg0: i32) -> (i32, i32) {
    %c0_i32 = arith.constant 0 : i32
    %c0_i32_0 = arith.constant 0 : i32
    %c0_i32_1 = arith.constant 0 : i32
    return %c0_i32, %c0_i32_0 : i32, i32
  }
  func.func @transform_6(%arg0: i32) -> (i32, i32) {
    %c0_i32 = arith.constant 0 : i32
    %c0_i32_0 = arith.constant 0 : i32
    %c0_i32_1 = arith.constant 0 : i32
    return %c0_i32, %c0_i32_0 : i32, i32
  }
  func.func @transform_7(%arg0: i32) -> (i32, i32) {
    %c0_i32 = arith.constant 0 : i32
    %c0_i32_0 = arith.constant 0 : i32
    %c0_i32_1 = arith.constant 0 : i32
    return %c0_i32, %c0_i32_0 : i32, i32
  }
  func.func @transform_9(%arg0: i32) -> (i32, i32, i32) {
    %add3A = arith.constant 75 : i32
    %add3A_0 = arith.addi %add3A, %arg0 : i32
    %c0_i32 = arith.constant 0 : i32
    %c0_i32_1 = arith.constant 0 : i32
    %c0_i32_2 = arith.constant 0 : i32
    return %add3A_0, %c0_i32, %c0_i32_1 : i32, i32, i32
  }
}

</mosaic_0001>

<sc_bundles>
// kernel: kernel.10.cloned.1.call-start
scs
__scs_entry_jumppad:
0x0: {  	(pc) =	sbr.rel $0x88, $3  }
0x1: {  	(tag) =	ssettag $0x0;
	lr =	simm.s32 $0x1  }
0x2: {  	[smem:$0x3F97] =	sst lr;
	_ =	strace $0xD0000000  }
0x3: {  	_ = 	snop  }
0x4: {  	_ = 	snop  }
0x5: {  	_ = 	snop  }
0x6: {  	_ = 	snop  }
0x7: {  	_ = 	snop  }
__scs_overlays_trampoline_lowered:
0x8: {  	[smem:$0x3FA6] =	sst s0  }
0x9: {  	[smem:$0x3FA7] =	sst s1  }
0xa: {  	[smem:$0x3FA8] =	sst s2  }
0xb: {  	[smem:$0x3FA9] =	sst s3  }
0xc: {  	[smem:$0x3FAA] =	sst s4  }
0xd: {  	[smem:$0x3FAB] =	sst s5  }
0xe: {  	[smem:$0x3FAC] =	sst s6  }
0xf: {  	[smem:$0x3FAD] =	sst s7  }
0x10: {  	[smem:$0x3FAE] =	sst s8  }
0x11: {  	[smem:$0x3FAF] =	sst s9;
	s0 =	simm.s32 @!p0 $0x0  }
0x12: {  	s1 =	sld [smem:$0x3F95];
	s0 =	simm.s32 @p0 $0x1  }
0x13: {  	[smem:$0x3FB0] =	sst s0;
	s0 =	simm.s32 @!p1 $0x0  }
0x14: {  	s2 =	sld [smem:$0x3F94];
	s0 =	simm.s32 @p1 $0x1  }
0x15: {  	[smem:$0x3FB1] =	sst s0;
	s0 =	simm.s32 @!p2 $0x0  }
0x16: {  	s3 =	sld [smem:$0x3FDB];
	s0 =	simm.s32 @p2 $0x1  }
0x17: {  	s4 =	simm.s32 $0x1BF5;
	[smem:$0x3FB3] =	sst s0  }
0x18: {  	s0 =	sld [smem:$0x3F96];
	_ =	swait.ge [sflag:s4], $0x0  }
0x19: {  	s7 =	sld [smem:$0x3F97]  }
0x1a: {  	s8 =	sadd.s32 $0xFFFFE003, lr  }
0x1b: {  	s9 =	sadd.s32 $0xFFFFFEF7, lr;
	s5 =	simm.s32 $0xFFFFFFFF;
	p2 =	slt.u32 s8, $0xFFFFF086  }
0x1c: {  	p1 =	slt.u32 s9, $0xF7A;
	s5 =	simm.s32 @!p2 $0x0  }
0x1d: {  	s5 =	simm.s32 @p1 $0x1;
	p0 =	seq.s32 s7, s2  }
0x1e: {  	s7 =	smul.u32 @!p0 $0xF7A, s2;
	p2 =	seq.s32 @!p0 s5, $0x0  }
0x1f: {  	s9 =	smul.u32 $0xF7A, s1;
	s8 =	simm.s32 @!p0 $0x1BF5;
	p2 =	por !p2, p0  }
0x20: {  	[sflag:s8] =	ssyncset.s32 @!p0 $0xFFFFF086;
	s6 =	sadd.s32 @!p0 s3, s7;
	s7 =	simm.s32 @!p0 $0x108  }
0x21: {  	s3 =	sadd.s32 s3, s9;
	s6 =	sadd.s32 @!p0 $0x88, s6;
	s7 =	simm.s32 @p2 $0x1082  }
0x22: {  	[simem:s7], [sflag:s8] =	dma.local @!p0 [hbm:s6], $0xF7A  }
0x23: {  	s9 =	sor.u32 $0xD0000000, s2;
	s6 =	simm.s32 $0x108;
	_ =	swait.ge @!p0 [sflag:s8], $0x0  }
0x24: {  	s3 =	sadd.s32 $0x88, s3;
	s6 =	simm.s32 @!p1 $0x1082;
	[sflag:s4] =	ssyncset.s32 $0xFFFFF086  }
0x25: {  	[simem:s6], [sflag:s4] =	dma.local [hbm:s3], $0xF7A  }
0x26: {  	[smem:$0x3F97] =	sst s1;
	(tag) =	ssettag s2;
	_ =	strace s9  }
0x27: {  	s1 =	sld [smem:$0x3FA7]  }
0x28: {  	s2 =	sld [smem:$0x3FA8]  }
0x29: {  	s4 =	sld [smem:$0x3FAA]  }
0x2a: {  	p0 =	seq.s32 s5, $0x0;
	s5 =	sld [smem:$0x3FAB]  }
0x2b: {  	s6 =	sld [smem:$0x3FAC]  }
0x2c: {  	s7 =	sld [smem:$0x3FAD]  }
0x2d: {  	s3 =	simm.s32 $0x108;
	s8 =	sld [smem:$0x3FAE]  }
0x2e: {  	s3 =	simm.s32 @!p0 $0x1082;
	s9 =	sld [smem:$0x3FAF]  }
0x2f: {  	lr =	sadd.s32 s0, s3;
	s0 =	sld [smem:$0x3FA6]  }
0x30: {  	s3 =	sld [smem:$0x3FA9]  }
0x31: {  	[smem:$0x3FB2] =	sst s10  }
0x32: {  	s10 =	sld [smem:$0x3FB0];
	_ =	sdelay $0x3  }
0x33: {  	p0 =	seq.s32 s10, $0x1;
	s10 =	sld [smem:$0x3FB2];
	_ =	sdelay $0x3  }
0x34: {  	[smem:$0x3FB2] =	sst s10  }
0x35: {  	s10 =	sld [smem:$0x3FB1];
	_ =	sdelay $0x3  }
0x36: {  	p1 =	seq.s32 s10, $0x1;
	s10 =	sld [smem:$0x3FB2];
	_ =	sdelay $0x3  }
0x37: {  	[smem:$0x3FB2] =	sst s10  }
0x38: {  	s10 =	sld [smem:$0x3FB3]  }
0x39: {  	_ = 	snop;
	(pc) =	sbr.ind lr, $3  }
0x3a: {  	_ = 	snop  }
0x3b: {  	_ = 	snop  }
0x3c: {  	p2 =	seq.s32 s10, $0x1;
	s10 =	sld [smem:$0x3FB2]  }
0x3d: {  	_ =	shalt  }
0x3e: {  	_ =	shalt  }
0x3f: {  	_ =	shalt  }
0x40: {  	_ =	shalt  }
0x41: {  	_ =	shalt  }
0x42: {  	_ =	shalt  }
0x43: {  	_ =	shalt  }
0x44: {  	_ =	shalt  }
0x45: {  	_ =	shalt  }
0x46: {  	_ =	shalt  }
0x47: {  	_ =	shalt  }
0x48: {  	_ =	shalt  }
0x49: {  	_ =	shalt  }
0x4a: {  	_ =	shalt  }
0x4b: {  	_ =	shalt  }
0x4c: {  	_ =	shalt  }
0x4d: {  	_ =	shalt  }
0x4e: {  	_ =	shalt  }
0x4f: {  	_ =	shalt  }
0x50: {  	_ =	shalt  }
0x51: {  	_ =	shalt  }
0x52: {  	_ =	shalt  }
0x53: {  	_ =	shalt  }
0x54: {  	_ =	shalt  }
0x55: {  	_ =	shalt  }
0x56: {  	_ =	shalt  }
0x57: {  	_ =	shalt  }
0x58: {  	_ =	shalt  }
0x59: {  	_ =	shalt  }
0x5a: {  	_ =	shalt  }
0x5b: {  	_ =	shalt  }
0x5c: {  	_ =	shalt  }
0x5d: {  	_ =	shalt  }
0x5e: {  	_ =	shalt  }
0x5f: {  	_ =	shalt  }
0x60: {  	_ =	shalt  }
0x61: {  	_ =	shalt  }
0x62: {  	_ =	shalt  }
0x63: {  	_ =	shalt  }
0x64: {  	_ =	shalt  }
0x65: {  	_ =	shalt  }
0x66: {  	_ =	shalt  }
0x67: {  	_ =	shalt  }
0x68: {  	_ =	shalt  }
0x69: {  	_ =	shalt  }
0x6a: {  	_ =	shalt  }
0x6b: {  	_ =	shalt  }
0x6c: {  	_ =	shalt  }
0x6d: {  	_ =	shalt  }
0x6e: {  	_ =	shalt  }
0x6f: {  	_ =	shalt  }
0x70: {  	_ =	shalt  }
0x71: {  	_ =	shalt  }
0x72: {  	_ =	shalt  }
0x73: {  	_ =	shalt  }
0x74: {  	_ =	shalt  }
0x75: {  	_ =	shalt  }
0x76: {  	_ =	shalt  }
0x77: {  	_ =	shalt  }
0x78: {  	_ =	shalt  }
0x79: {  	_ =	shalt  }
0x7a: {  	_ =	shalt  }
0x7b: {  	_ =	shalt  }
0x7c: {  	_ =	shalt  }
0x7d: {  	_ =	shalt  }
0x7e: {  	_ =	shalt  }
0x7f: {  	_ =	shalt  }
0x80: {  	_ =	shalt  }
0x81: {  	_ =	shalt  }
0x82: {  	_ =	shalt  }
0x83: {  	_ =	shalt  }
0x84: {  	_ =	shalt  }
0x85: {  	_ =	shalt  }
0x86: {  	_ =	shalt  }
0x87: {  	_ =	shalt  }
.Lfunc_end0:
.L_simem_size_0:
called_computation_lowered:
.L_overlay_start_0:
0x88: {  	s2 =	sld [smem:$0x3FD9]  }
0x89: {  	s3 =	sld [smem:$0x3FFE];
	_ =	sdelay $0x1  }
0x8a: {  	s1 =	srdreg.scid  }
0x8b: {  	s0 =	sand.u32 $0x1, s1  }
0x8c: {  	s16 =	sshll.u32 s0, $0xA;
	s2 =	sadd.s32 s3, s2  }
0x8d: {  	s2 =	sadd.s32 s2, s16  }
0x8e: {  	[smem:$0x3FBE] =	sst s2  }
0x8f: {  	_ = 	snop  }
0x90: {  	(tm) =	ssettm $0x1  }
0x91: {  	s17 =	sld [smem:$0x3FFB];
	_ =	sdelay $0x3  }
0x92: {  	_ =	strace s17  }
0x93: {  	s2 =	sld [smem:$0x3FFC];
	_ =	sdelay $0x3  }
0x94: {  	_ =	strace s2  }
0x95: {  	s2 =	sld [smem:$0x3FFD];
	_ =	sdelay $0x3  }
0x96: {  	_ =	strace s2  }
0x97: {  	_ =	strace $0x8FFFFFFF  }
0x98: {  	s18 =	sld [smem:$0x3FDB];
	_ =	sdelay $0x1  }
0x99: {  	s19 =	simm.s32 $_scs_section_size  }
0x9a: {  	s4 =	simm.s32 $_size__tile_overlayer_lowered;
	s5 =	simm.s32 $_tile_overlayer_lowered  }
0x9b: {  	s22 =	simm.s32 $0x1BFF;
	s21 =	sshll.u32 s5, $0x1;
	s2 =	sadd.s32 s19, s18  }
0x9c: {  	s6 =	simm.s32 $0x0;
	s20 =	sshll.u32 s4, $0x1;
	s4 =	sadd.s32 s21, s2  }
0x9d: {  	[timem:s6], [sflag:s22] =	dma.local [hbm:s4], s20  }
0x9e: {  	_ =	swait.ge [sflag:s22], s20  }
0x9f: {  	s3 =	ssub.s32 $0x0, s20;
	[sflag:s22] =	ssyncset.done $0x0  }
0xa0: {  	[sflag:s22] =	ssyncadd.s32 s3;
	_ =	sdelay $0x1  }
0xa1: {  	s23 =	simm.s32 $0x1B8B  }
0xa2: {  	_ =	swait.ge [sflag:s23], $0x1  }
0xa3: {  	[sflag:s23] =	ssyncset.done $0x0  }
0xa4: {  	s25 =	simm.s32 $0x1B8E;
	s24 =	sld [smem:$0x3FFE];
	[sflag:s23] =	ssyncadd.s32 $0xFFFFFFFF  }
0xa5: {  	s26 =	simm.s32 $execute0_lowered;
	[smem:$0x3FD2] =	sst s25  }
0xa6: {  	s4 =	sshll.u32 s26, $0x1;
	_ =	strace $0x80000046;
	[dreg:$0x1] =	wrdreg $0xFFFFFFFF  }
0xa7: {  	s28 =	simm.s32 $_size_execute0_lowered;
	s2 =	sadd.s32 s2, s4;
	[dreg:$0x0] =	wrdreg $0x0  }
0xa8: {  	s4 =	sshll.u32 s28, $0x1;
	[dreg:$0x2] =	wrdreg s2  }
0xa9: {  	[dreg:$0x3] =	wrdreg s4  }
0xaa: {  	[dreg:$0x4] =	wrdreg $0xC0  }
0xab: {  	_ =	task [dreg:s6], $0x5FFFF  }
0xac: {  	[dreg:$0x1] =	wrdreg $0xFFFFFFFF  }
0xad: {  	[dreg:$0x0] =	wrdreg $0x60  }
0xae: {  	[dreg:$0x2] =	wrdreg s24  }
0xaf: {  	[dreg:$0x3] =	wrdreg $0x9  }
0xb0: {  	_ =	task.clear_ibuf [dreg:s6], $0x4FFFF;
	_ =	strace $0x90000046  }
0xb1: {  	s29 =	simm.s32 $0x9;
	_ =	strace $0x80000048  }
0xb2: {  	_ =	swait.ge [sflag:s29], $0x1  }
0xb3: {  	[sflag:s29] =	ssyncadd.s32 $0xFFFFFFFF  }
0xb4: {  	_ =	strace $0x90000048  }
0xb5: {  	_ =	sfence  }
0xb6: {  	s30 =	sld [smem:$0x0];
	_ =	sdelay $0x2  }
0xb7: {  	s31 =	sshll.u32 s1, $0xD;
	s1 =	sshrl.u32 s1, $0x2  }
0xb8: {  	s3 =	sand.u32 $0x4000, s31;
	s1 =	sadd.s32 s1, s30  }
0xb9: {  	s0 =	sor.u32 s3, s0;
	s1 =	sshll.u32 s1, $0x11  }
0xba: {  	s0 =	sor.u32 s1, s0  }
0xbb: {  	s0 =	sadd.s32 $0x8F2B, s0  }
0xbc: {  	[sflag:s0] =	ssyncadd.remote.s32 $0x1  }
0xbd: {  	_ =	sfence.sel $0xFFFF  }
0xbe: {  	[dreg:$0x0] =	wrdreg $0xFFFFFFFF;
	(pc) =	sbr.abs _section_cstart, $3  }
0xbf: {  	[dreg:$0x1] =	wrdreg $0xFFFFFFFF  }
0xc0: {  	_ =	task.clear_ibuf [dreg:s6], $0x2FFFF;
	_ =	strace $0x9FFFFFFF  }
0xc1: {  	(tm) =	ssettm $0x7FFFFFFF  }
tec
execute0_lowered:
.L_overlay_start_1:
0x0: {  	(tag) =	ssettag $0x1  }
0x1: {  	s4 =	rddreg [dreg:$0x0]  }
0x2: {  	s0 =	rddreg [dreg:$0x1];
	s3 =	srdreg.scid  }
0x3: {  	s1 =	stileid.u32;
	s2 =	simm.s32 $0x0;
	s13 =	simm.s32 $0x1  }
0x4: {  	s14 =	simm.s32 $0x4;
	s15 =	simm.s32 $0x2;
	s16 =	simm.s32 $0x0  }
0x5: {  	s5 =	sand.u32 $0x1, s3;
	s25 =	sshll.u32 s1, $0x1;
	[smem:$0x7FF] =	sst s2  }
0x6: {  	s3 =	sadd.s32 $0x12800, s4;
	s9 =	smul.u32 $0xC8000, s1;
	s12 =	sadd.s32 $0x199200, s4  }
0x7: {  	s6 =	sor.u32 s5, s25;
	s8 =	ssub.s32 $0x2, s5;
	s11 =	smul.u32 $0x64000, s5  }
0x8: {  	s7 =	smul.u32 $0x64000, s6;
	s6 =	sshll.u32 s6, $0x9;
	s10 =	sshrl.u32 s8, $0x1  }
0x9: {  	_ =	strace $0x80000047;
	s6 =	sadd.s32 s6, s4;
	s26 =	ssub.s32 s8, s10  }
0xa: {  	s29 =	sadd.s32 s11, s9;
	s10 =	simm.s32 $0x1000;
	s11 =	simm.s32 $0x80  }
0xb: {  	s4 =	sadd.s32 $0xE800, s6;
	s5 =	smax.u32 s26, $0x1;
	s28 =	sshrl.u32 s7, $0x3  }
0xc: {  	s30 =	sshrl.u32 s29, $0x3;
	s9 =	sadd.s32 $0x4000, s29;
	s6 =	sadd.s32 s12, s28  }
0xd: {  	s7 =	sadd.s32 s30, s12;
	s31 =	sshrl.u32 s9, $0x3;
	s9 =	simm.s32 $0x3  }
0xe: {  	s6 =	sadd.s32 $0xC000, s6;
	s8 =	sadd.s32 s31, s12;
	s12 =	simm.s32 $0x5000  }
.LBB2_1:
0xf: {  	[tilespmem:s2], [sflag:$0x3] =	stream.linear.gather [hbm4b:s4+s2], $0xC80, $0x38;
	[tilespmem:$0x9000] =	vst v63  }
0x10: {  	_ =	swait.ge [sflag:s9], $0xC80  }
0x11: {  	[sflag:s9] =	ssyncset.done $0x0  }
0x12: {  	[sflag:s9] =	ssyncadd.s32 $0xFFFFF380  }
0x13: {  	[tilespmem:s10], [sflag:$0x1] =	stream.indirect.gather [hbm4b:s3+s11], $0x80, s2, s11, $0xb8;
	[tilespmem:$0x9000] =	vst v63  }
0x14: {  	_ = 	snop  }
0x15: {  	[tilespmem:s12], [sflag:$0x2] =	stream.indirect.gather [hbm4b:s3+s11], $0x80, s11, s11, $0xb8;
	[tilespmem:$0x9000] =	vst v63  }
0x16: {  	_ =	swait.ge [sflag:s13], $0x4000  }
0x17: {  	[sflag:s13] =	ssyncset.done $0x0  }
0x18: {  	s17 =	sadd.s32 $0x0, s7;
	[sflag:s13] =	ssyncadd.s32 $0xFFFFC000  }
0x19: {  	[hbm4b:s17+s2] =	stream.linear.scatter [tilespmem:s10], [sflag:$0x4], $0x4000, $0x38;
	[tilespmem:$0x9000] =	vst v63  }
0x1a: {  	_ =	swait.ge [sflag:s14], $0x4000  }
0x1b: {  	[sflag:s14] =	ssyncset.done $0x0  }
0x1c: {  	s30 =	simm.s32 $0x100;
	[sflag:s14] =	ssyncadd.s32 $0xFFFFC000  }
0x1d: {  	[tilespmem:s10], [sflag:$0x1] =	stream.indirect.gather [hbm4b:s3+s11], $0x80, s30, s11, $0xb8;
	[tilespmem:$0x9000] =	vst v63  }
0x1e: {  	_ =	swait.ge [sflag:s15], $0x4000  }
0x1f: {  	[sflag:s15] =	ssyncset.done $0x0  }
0x20: {  	s31 =	sadd.s32 $0x0, s8;
	[sflag:s15] =	ssyncadd.s32 $0xFFFFC000  }
0x21: {  	[hbm4b:s31+s2] =	stream.linear.scatter [tilespmem:s12], [sflag:$0x3], $0x4000, $0x38;
	[tilespmem:$0x9000] =	vst v63  }
0x22: {  	_ =	swait.ge [sflag:s9], $0x4000  }
0x23: {  	s18 =	simm.s32 $0x80;
	s17 =	simm.s32 $0x1000;
	[sflag:s9] =	ssyncset.done $0x0  }
.LBB2_2:
0x24: {  	p0 =	sne.s32 s17, $0xB000;
	[sflag:s9] =	ssyncadd.s32 $0xFFFFC000;
	s18 =	sadd.s32 $0x100, s18  }
0x25: {  	[tilespmem:s12], [sflag:$0x2] =	stream.indirect.gather [hbm4b:s3+s11], $0x80, s18, s11, $0xb8;
	[tilespmem:$0x9000] =	vst v63  }
0x26: {  	s19 =	smov.u32 s17;
	s17 =	sadd.s32 $0x1000, s17;
	_ =	swait.ge [sflag:s13], $0x4000  }
0x27: {  	[sflag:s13] =	ssyncset.done $0x0  }
0x28: {  	s20 =	sadd.s32 s19, s7;
	[sflag:s13] =	ssyncadd.s32 $0xFFFFC000  }
0x29: {  	[hbm4b:s20+s2] =	stream.linear.scatter [tilespmem:s10], [sflag:$0x4], $0x4000, $0x38;
	[tilespmem:$0x9000] =	vst v63  }
0x2a: {  	_ =	swait.ge [sflag:s14], $0x4000  }
0x2b: {  	[sflag:s14] =	ssyncset.done $0x0  }
0x2c: {  	s20 =	sadd.s32 $0x80, s18;
	[sflag:s14] =	ssyncadd.s32 $0xFFFFC000  }
0x2d: {  	[tilespmem:s10], [sflag:$0x1] =	stream.indirect.gather [hbm4b:s3+s11], $0x80, s20, s11, $0xb8;
	[tilespmem:$0x9000] =	vst v63  }
0x2e: {  	_ =	swait.ge [sflag:s15], $0x4000  }
.Ltmp0:
0x2f: {  	[sflag:s15] =	ssyncset.done $0x0;
	(pc) =	sbr.rel @p0 .LBB2_2-.Ltmp0, $4  }
0x30: {  	s19 =	sadd.s32 s19, s8;
	[sflag:s15] =	ssyncadd.s32 $0xFFFFC000  }
0x31: {  	[hbm4b:s19+s2] =	stream.linear.scatter [tilespmem:s12], [sflag:$0x3], $0x4000, $0x38;
	[tilespmem:$0x9000] =	vst v63  }
0x32: {  	_ =	swait.ge [sflag:s9], $0x4000  }
0x33: {  	[sflag:s9] =	ssyncset.done $0x0  }
0x34: {  	[sflag:s9] =	ssyncadd.s32 $0xFFFFC000  }
0x35: {  	s16 =	sadd.s32 $0x1, s16;
	_ =	swait.ge [sflag:s13], $0x4000  }
0x36: {  	p0 =	sne.s32 s16, s5;
	[sflag:s13] =	ssyncset.done $0x0  }
.Ltmp1:
0x37: {  	[sflag:s13] =	ssyncadd.s32 $0xFFFFC000;
	(pc) =	sbr.rel @p0 .LBB2_1-.Ltmp1, $4  }
0x38: {  	[hbm4b:s6+s2] =	stream.linear.scatter [tilespmem:s10], [sflag:$0x4], $0x4000, $0x38;
	[tilespmem:$0x9000] =	vst v63  }
0x39: {  	_ =	swait.ge [sflag:s14], $0x4000  }
0x3a: {  	[sflag:s14] =	ssyncset.done $0x0  }
0x3b: {  	[sflag:s14] =	ssyncadd.s32 $0xFFFFC000  }
0x3c: {  	_ =	sfence.sel $0x180000  }
0x3d: {  	[bflag:$0x0] =	sbarrier.arrive $0xFFFF  }
0x3e: {  	p0 =	sne.s32 s1, $0x0;
	_ =	strace $0x90000047  }
0x3f: {  	s0 =	sadd.s32 @!p0 $0x100000, s0;
	[bflag:$0x2] =	sbarrier.arrive $0xFFFF  }
0x40: {  	[sflag:s0] =	ssyncadd.tile.s32 @!p0 $0x1;
	_ =	shalt  }
.Lfunc_end2:
_tile_overlayer_lowered:
.L_overlay_start_2:
0x41: {  	(tag) =	ssettag $0x2  }
0x42: {  	s0 =	rddreg [dreg:$0x0];
	s2 =	stileid.u32  }
0x43: {  	s1 =	rddreg [dreg:$0x1];
	p0 =	sne.s32 s2, $0x0  }
0x44: {  	s3 =	rddreg [dreg:$0x2];
	[bflag:$0x3] =	sbarrier.arrive $0xFFFF;
	s2 =	simm.s32 @!p0 $0x1C03  }
0x45: {  	[timem:s3], [sflag:s2] =	dma.local @!p0 [hbm:s0], s1  }
0x46: {  	s0 =	simm.s32 @!p0 $0x3  }
0x47: {  	_ =	swait.ge @!p0 [sflag:s0], s1  }
0x48: {  	s1 =	ssub.s32 @!p0 $0x0, s1;
	[sflag:s0] =	ssyncset.done @!p0 $0x0  }
0x49: {  	[sflag:s0] =	ssyncadd.s32 @!p0 s1  }
0x4a: {  	[bflag:$0x3] =	sbarrier.arrive $0xFFFF  }
0x4b: {  	_ =	shalt  }

// kernel: kernel.13.cloned.1.call-start
scs
__scs_entry_jumppad:
0x0: {  	(pc) =	sbr.rel $0x88, $3  }
0x1: {  	(tag) =	ssettag $0x0;
	lr =	simm.s32 $0x1  }
0x2: {  	[smem:$0x3F97] =	sst lr;
	_ =	strace $0xD0000000  }
0x3: {  	_ = 	snop  }
0x4: {  	_ = 	snop  }
0x5: {  	_ = 	snop  }
0x6: {  	_ = 	snop  }
0x7: {  	_ = 	snop  }
__scs_overlays_trampoline_lowered:
0x8: {  	[smem:$0x3FA6] =	sst s0  }
0x9: {  	[smem:$0x3FA7] =	sst s1  }
0xa: {  	[smem:$0x3FA8] =	sst s2  }
0xb: {  	[smem:$0x3FA9] =	sst s3  }
0xc: {  	[smem:$0x3FAA] =	sst s4  }
0xd: {  	[smem:$0x3FAB] =	sst s5  }
0xe: {  	[smem:$0x3FAC] =	sst s6  }
0xf: {  	[smem:$0x3FAD] =	sst s7  }
0x10: {  	[smem:$0x3FAE] =	sst s8  }
0x11: {  	[smem:$0x3FAF] =	sst s9;
	s0 =	simm.s32 @!p0 $0x0  }
0x12: {  	s1 =	sld [smem:$0x3F95];
	s0 =	simm.s32 @p0 $0x1  }
0x13: {  	[smem:$0x3FB0] =	sst s0;
	s0 =	simm.s32 @!p1 $0x0  }
0x14: {  	s2 =	sld [smem:$0x3F94];
	s0 =	simm.s32 @p1 $0x1  }
0x15: {  	[smem:$0x3FB1] =	sst s0;
	s0 =	simm.s32 @!p2 $0x0  }
0x16: {  	s3 =	sld [smem:$0x3FDB];
	s0 =	simm.s32 @p2 $0x1  }
0x17: {  	s4 =	simm.s32 $0x1BF5;
	[smem:$0x3FB3] =	sst s0  }
0x18: {  	s0 =	sld [smem:$0x3F96];
	_ =	swait.ge [sflag:s4], $0x0  }
0x19: {  	s7 =	sld [smem:$0x3F97]  }
0x1a: {  	s8 =	sadd.s32 $0xFFFFE003, lr  }
0x1b: {  	s9 =	sadd.s32 $0xFFFFFEF7, lr;
	s5 =	simm.s32 $0xFFFFFFFF;
	p2 =	slt.u32 s8, $0xFFFFF086  }
0x1c: {  	p1 =	slt.u32 s9, $0xF7A;
	s5 =	simm.s32 @!p2 $0x0  }
0x1d: {  	s5 =	simm.s32 @p1 $0x1;
	p0 =	seq.s32 s7, s2  }
0x1e: {  	s7 =	smul.u32 @!p0 $0xF7A, s2;
	p2 =	seq.s32 @!p0 s5, $0x0  }
0x1f: {  	s9 =	smul.u32 $0xF7A, s1;
	s8 =	simm.s32 @!p0 $0x1BF5;
	p2 =	por !p2, p0  }
0x20: {  	[sflag:s8] =	ssyncset.s32 @!p0 $0xFFFFF086;
	s6 =	sadd.s32 @!p0 s3, s7;
	s7 =	simm.s32 @!p0 $0x108  }
0x21: {  	s3 =	sadd.s32 s3, s9;
	s6 =	sadd.s32 @!p0 $0x88, s6;
	s7 =	simm.s32 @p2 $0x1082  }
0x22: {  	[simem:s7], [sflag:s8] =	dma.local @!p0 [hbm:s6], $0xF7A  }
0x23: {  	s9 =	sor.u32 $0xD0000000, s2;
	s6 =	simm.s32 $0x108;
	_ =	swait.ge @!p0 [sflag:s8], $0x0  }
0x24: {  	s3 =	sadd.s32 $0x88, s3;
	s6 =	simm.s32 @!p1 $0x1082;
	[sflag:s4] =	ssyncset.s32 $0xFFFFF086  }
0x25: {  	[simem:s6], [sflag:s4] =	dma.local [hbm:s3], $0xF7A  }
0x26: {  	[smem:$0x3F97] =	sst s1;
	(tag) =	ssettag s2;
	_ =	strace s9  }
0x27: {  	s1 =	sld [smem:$0x3FA7]  }
0x28: {  	s2 =	sld [smem:$0x3FA8]  }
0x29: {  	s4 =	sld [smem:$0x3FAA]  }
0x2a: {  	p0 =	seq.s32 s5, $0x0;
	s5 =	sld [smem:$0x3FAB]  }
0x2b: {  	s6 =	sld [smem:$0x3FAC]  }
0x2c: {  	s7 =	sld [smem:$0x3FAD]  }
0x2d: {  	s3 =	simm.s32 $0x108;
	s8 =	sld [smem:$0x3FAE]  }
0x2e: {  	s3 =	simm.s32 @!p0 $0x1082;
	s9 =	sld [smem:$0x3FAF]  }
0x2f: {  	lr =	sadd.s32 s0, s3;
	s0 =	sld [smem:$0x3FA6]  }
0x30: {  	s3 =	sld [smem:$0x3FA9]  }
0x31: {  	[smem:$0x3FB2] =	sst s10  }
0x32: {  	s10 =	sld [smem:$0x3FB0];
	_ =	sdelay $0x3  }
0x33: {  	p0 =	seq.s32 s10, $0x1;
	s10 =	sld [smem:$0x3FB2];
	_ =	sdelay $0x3  }
0x34: {  	[smem:$0x3FB2] =	sst s10  }
0x35: {  	s10 =	sld [smem:$0x3FB1];
	_ =	sdelay $0x3  }
0x36: {  	p1 =	seq.s32 s10, $0x1;
	s10 =	sld [smem:$0x3FB2];
	_ =	sdelay $0x3  }
0x37: {  	[smem:$0x3FB2] =	sst s10  }
0x38: {  	s10 =	sld [smem:$0x3FB3]  }
0x39: {  	_ = 	snop;
	(pc) =	sbr.ind lr, $3  }
0x3a: {  	_ = 	snop  }
0x3b: {  	_ = 	snop  }
0x3c: {  	p2 =	seq.s32 s10, $0x1;
	s10 =	sld [smem:$0x3FB2]  }
0x3d: {  	_ =	shalt  }
0x3e: {  	_ =	shalt  }
0x3f: {  	_ =	shalt  }
0x40: {  	_ =	shalt  }
0x41: {  	_ =	shalt  }
0x42: {  	_ =	shalt  }
0x43: {  	_ =	shalt  }
0x44: {  	_ =	shalt  }
0x45: {  	_ =	shalt  }
0x46: {  	_ =	shalt  }
0x47: {  	_ =	shalt  }
0x48: {  	_ =	shalt  }
0x49: {  	_ =	shalt  }
0x4a: {  	_ =	shalt  }
0x4b: {  	_ =	shalt  }
0x4c: {  	_ =	shalt  }
0x4d: {  	_ =	shalt  }
0x4e: {  	_ =	shalt  }
0x4f: {  	_ =	shalt  }
0x50: {  	_ =	shalt  }
0x51: {  	_ =	shalt  }
0x52: {  	_ =	shalt  }
0x53: {  	_ =	shalt  }
0x54: {  	_ =	shalt  }
0x55: {  	_ =	shalt  }
0x56: {  	_ =	shalt  }
0x57: {  	_ =	shalt  }
0x58: {  	_ =	shalt  }
0x59: {  	_ =	shalt  }
0x5a: {  	_ =	shalt  }
0x5b: {  	_ =	shalt  }
0x5c: {  	_ =	shalt  }
0x5d: {  	_ =	shalt  }
0x5e: {  	_ =	shalt  }
0x5f: {  	_ =	shalt  }
0x60: {  	_ =	shalt  }
0x61: {  	_ =	shalt  }
0x62: {  	_ =	shalt  }
0x63: {  	_ =	shalt  }
0x64: {  	_ =	shalt  }
0x65: {  	_ =	shalt  }
0x66: {  	_ =	shalt  }
0x67: {  	_ =	shalt  }
0x68: {  	_ =	shalt  }
0x69: {  	_ =	shalt  }
0x6a: {  	_ =	shalt  }
0x6b: {  	_ =	shalt  }
0x6c: {  	_ =	shalt  }
0x6d: {  	_ =	shalt  }
0x6e: {  	_ =	shalt  }
0x6f: {  	_ =	shalt  }
0x70: {  	_ =	shalt  }
0x71: {  	_ =	shalt  }
0x72: {  	_ =	shalt  }
0x73: {  	_ =	shalt  }
0x74: {  	_ =	shalt  }
0x75: {  	_ =	shalt  }
0x76: {  	_ =	shalt  }
0x77: {  	_ =	shalt  }
0x78: {  	_ =	shalt  }
0x79: {  	_ =	shalt  }
0x7a: {  	_ =	shalt  }
0x7b: {  	_ =	shalt  }
0x7c: {  	_ =	shalt  }
0x7d: {  	_ =	shalt  }
0x7e: {  	_ =	shalt  }
0x7f: {  	_ =	shalt  }
0x80: {  	_ =	shalt  }
0x81: {  	_ =	shalt  }
0x82: {  	_ =	shalt  }
0x83: {  	_ =	shalt  }
0x84: {  	_ =	shalt  }
0x85: {  	_ =	shalt  }
0x86: {  	_ =	shalt  }
0x87: {  	_ =	shalt  }
.Lfunc_end0:
.L_simem_size_0:
called_computation.1_lowered:
.L_overlay_start_0:
0x88: {  	s2 =	sld [smem:$0x3FD9]  }
0x89: {  	s3 =	sld [smem:$0x3FFE];
	_ =	sdelay $0x1  }
0x8a: {  	s1 =	srdreg.scid  }
0x8b: {  	s0 =	sand.u32 $0x1, s1  }
0x8c: {  	s17 =	sshll.u32 s0, $0xA;
	s2 =	sadd.s32 s3, s2  }
0x8d: {  	s2 =	sadd.s32 s2, s17  }
0x8e: {  	[smem:$0x3FBE] =	sst s2  }
0x8f: {  	_ = 	snop  }
0x90: {  	(tm) =	ssettm $0x1  }
0x91: {  	s18 =	sld [smem:$0x3FFB];
	_ =	sdelay $0x3  }
0x92: {  	_ =	strace s18  }
0x93: {  	s2 =	sld [smem:$0x3FFC];
	_ =	sdelay $0x3  }
0x94: {  	_ =	strace s2  }
0x95: {  	s2 =	sld [smem:$0x3FFD];
	_ =	sdelay $0x3  }
0x96: {  	_ =	strace s2  }
0x97: {  	_ =	strace $0x8FFFFFFF  }
0x98: {  	s19 =	sld [smem:$0x3FDB];
	_ =	sdelay $0x1  }
0x99: {  	s20 =	simm.s32 $_scs_section_size  }
0x9a: {  	s4 =	simm.s32 $_size__tile_overlayer_lowered;
	s5 =	simm.s32 $_tile_overlayer_lowered  }
0x9b: {  	s6 =	simm.s32 $0x1BFF;
	s21 =	sshll.u32 s5, $0x1;
	s3 =	sadd.s32 s20, s19  }
0x9c: {  	s22 =	simm.s32 $0x0;
	s4 =	sshll.u32 s4, $0x1;
	s5 =	sadd.s32 s21, s3  }
0x9d: {  	[timem:s22], [sflag:s6] =	dma.local [hbm:s5], s4  }
0x9e: {  	_ =	swait.ge [sflag:s6], s4  }
0x9f: {  	s4 =	ssub.s32 $0x0, s4;
	[sflag:s6] =	ssyncset.done $0x0  }
0xa0: {  	[sflag:s6] =	ssyncadd.s32 s4;
	_ =	sdelay $0x1  }
0xa1: {  	s23 =	simm.s32 $0x1B8B  }
0xa2: {  	_ =	swait.ge [sflag:s23], $0x1  }
0xa3: {  	[sflag:s23] =	ssyncset.done $0x0  }
0xa4: {  	[sflag:s23] =	ssyncadd.s32 $0xFFFFFFFF  }
0xa5: {  	s4 =	sld [smem:$0x0]  }
0xa6: {  	s5 =	sand.u32 $0xFFFFFFFE, s1  }
0xa7: {  	p0 =	sne.s32 s1, s5  }
0xa8: {  	s5 =	sshll.u32 @p0 s5, $0xE  }
0xa9: {  	s5 =	sadd.s32 @p0 $0x11B8D, s5;
	s6 =	sshll.u32 @p0 s4, $0x11  }
0xaa: {  	s5 =	sor.u32 @p0 s6, s5  }
0xab: {  	[sflag:s5] =	ssyncadd.remote.s32 @p0 $0x1;
	_ =	sdelay $0x1  }
0xac: {  	s5 =	simm.s32 @p0 $0x1B8D  }
0xad: {  	_ =	swait.eq @p0 [sflag:s5], $0x1  }
0xae: {  	[sflag:s5] =	ssyncadd.s32 @p0 $0xFFFFFFFF  }
0xaf: {  	s6 =	sshll.u32 @!p0 s1, $0xE  }
0xb0: {  	s6 =	sor.u32 @!p0 $0x4000, s6;
	s5 =	simm.s32 @!p0 $0x1B8D  }
0xb1: {  	s4 =	sshll.u32 @!p0 s4, $0x11;
	s6 =	sadd.s32 @!p0 $0x11B8D, s6;
	_ =	swait.eq @!p0 [sflag:s5], $0x1  }
0xb2: {  	s4 =	sor.u32 @!p0 s4, s6;
	[sflag:s5] =	ssyncadd.s32 @!p0 $0xFFFFFFFF  }
0xb3: {  	s25 =	simm.s32 $0x1B8E;
	s24 =	sld [smem:$0x3FFE];
	[sflag:s4] =	ssyncadd.remote.s32 @!p0 $0x1  }
0xb4: {  	s26 =	simm.s32 $execute0_lowered;
	[smem:$0x3FD2] =	sst s25  }
0xb5: {  	s5 =	sshll.u32 s26, $0x1;
	_ =	strace $0x80000049;
	[dreg:$0x1] =	wrdreg $0xFFFFFFFF  }
0xb6: {  	s28 =	simm.s32 $_size_execute0_lowered;
	s3 =	sadd.s32 s3, s5;
	[dreg:$0x0] =	wrdreg $0x0  }
0xb7: {  	s5 =	sshll.u32 s28, $0x1;
	[dreg:$0x2] =	wrdreg s3  }
0xb8: {  	[dreg:$0x3] =	wrdreg s5  }
0xb9: {  	[dreg:$0x4] =	wrdreg $0xC0  }
0xba: {  	_ =	task [dreg:s22], $0x5FFFF  }
0xbb: {  	[dreg:$0x1] =	wrdreg $0xFFFFFFFF  }
0xbc: {  	[dreg:$0x0] =	wrdreg $0x60  }
0xbd: {  	[dreg:$0x2] =	wrdreg s24  }
0xbe: {  	[dreg:$0x3] =	wrdreg $0xA  }
0xbf: {  	_ =	task.clear_ibuf [dreg:s22], $0x4FFFF;
	_ =	strace $0x90000049  }
0xc0: {  	s29 =	simm.s32 $0xA;
	_ =	strace $0x8000004B  }
0xc1: {  	_ =	swait.ge [sflag:s29], $0x1  }
0xc2: {  	[sflag:s29] =	ssyncadd.s32 $0xFFFFFFFF  }
0xc3: {  	_ =	strace $0x9000004B  }
0xc4: {  	_ =	sfence  }
0xc5: {  	s30 =	sld [smem:$0x0];
	_ =	sdelay $0x2  }
0xc6: {  	s31 =	sshll.u32 s1, $0xD;
	s1 =	sshrl.u32 s1, $0x2  }
0xc7: {  	s4 =	sand.u32 $0x4000, s31;
	s1 =	sadd.s32 s1, s30  }
0xc8: {  	s0 =	sor.u32 s4, s0;
	s1 =	sshll.u32 s1, $0x11  }
0xc9: {  	s0 =	sor.u32 s1, s0  }
0xca: {  	s0 =	sadd.s32 $0x8F2B, s0  }
0xcb: {  	[sflag:s0] =	ssyncadd.remote.s32 $0x1  }
0xcc: {  	_ =	sfence.sel $0xFFFF  }
0xcd: {  	[dreg:$0x0] =	wrdreg $0xFFFFFFFF;
	(pc) =	sbr.abs _section_cstart, $3  }
0xce: {  	[dreg:$0x1] =	wrdreg $0xFFFFFFFF  }
0xcf: {  	_ =	task.clear_ibuf [dreg:s22], $0x2FFFF;
	_ =	strace $0x9FFFFFFF  }
0xd0: {  	(tm) =	ssettm $0x7FFFFFFF  }
0xd1: {  	_ =	shalt  }
tec
execute0_lowered:
.L_overlay_start_1:
0x0: {  	(tag) =	ssettag $0x1  }
0x1: {  	s4 =	rddreg [dreg:$0x0]  }
0x2: {  	s0 =	rddreg [dreg:$0x1];
	s3 =	srdreg.scid  }
0x3: {  	s1 =	stileid.u32;
	s2 =	simm.s32 $0x0;
	s13 =	simm.s32 $0x1  }
0x4: {  	s14 =	simm.s32 $0x4;
	s15 =	simm.s32 $0x2;
	s16 =	simm.s32 $0x0  }
0x5: {  	s5 =	sand.u32 $0x1, s3;
	s25 =	sshll.u32 s1, $0x1;
	[smem:$0x7FF] =	sst s2  }
0x6: {  	s3 =	sadd.s32 $0x12800, s4;
	s9 =	smul.u32 $0xC8000, s1;
	s12 =	sadd.s32 $0x329200, s4  }
0x7: {  	s6 =	sor.u32 s5, s25;
	s8 =	ssub.s32 $0x2, s5;
	s11 =	smul.u32 $0x64000, s5  }
0x8: {  	s7 =	smul.u32 $0x64000, s6;
	s6 =	sshll.u32 s6, $0x9;
	s10 =	sshrl.u32 s8, $0x1  }
0x9: {  	_ =	strace $0x8000004A;
	s6 =	sadd.s32 s6, s4;
	s26 =	ssub.s32 s8, s10  }
0xa: {  	s29 =	sadd.s32 s11, s9;
	s10 =	simm.s32 $0x1000;
	s11 =	simm.s32 $0x80  }
0xb: {  	s4 =	sadd.s32 $0x2800, s6;
	s5 =	smax.u32 s26, $0x1;
	s28 =	sshrl.u32 s7, $0x3  }
0xc: {  	s30 =	sshrl.u32 s29, $0x3;
	s9 =	sadd.s32 $0x4000, s29;
	s6 =	sadd.s32 s12, s28  }
0xd: {  	s7 =	sadd.s32 s30, s12;
	s31 =	sshrl.u32 s9, $0x3;
	s9 =	simm.s32 $0x3  }
0xe: {  	s6 =	sadd.s32 $0xC000, s6;
	s8 =	sadd.s32 s31, s12;
	s12 =	simm.s32 $0x5000  }
.LBB2_1:
0xf: {  	[tilespmem:s2], [sflag:$0x3] =	stream.linear.gather [hbm4b:s4+s2], $0xC80, $0x38;
	[tilespmem:$0x9000] =	vst v63  }
0x10: {  	_ =	swait.ge [sflag:s9], $0xC80  }
0x11: {  	[sflag:s9] =	ssyncset.done $0x0  }
0x12: {  	[sflag:s9] =	ssyncadd.s32 $0xFFFFF380  }
0x13: {  	[tilespmem:s10], [sflag:$0x1] =	stream.indirect.gather [hbm4b:s3+s11], $0x80, s2, s11, $0xb8;
	[tilespmem:$0x9000] =	vst v63  }
0x14: {  	_ = 	snop  }
0x15: {  	[tilespmem:s12], [sflag:$0x2] =	stream.indirect.gather [hbm4b:s3+s11], $0x80, s11, s11, $0xb8;
	[tilespmem:$0x9000] =	vst v63  }
0x16: {  	_ =	swait.ge [sflag:s13], $0x4000  }
0x17: {  	[sflag:s13] =	ssyncset.done $0x0  }
0x18: {  	s17 =	sadd.s32 $0x0, s7;
	[sflag:s13] =	ssyncadd.s32 $0xFFFFC000  }
0x19: {  	[hbm4b:s17+s2] =	stream.linear.scatter [tilespmem:s10], [sflag:$0x4], $0x4000, $0x38;
	[tilespmem:$0x9000] =	vst v63  }
0x1a: {  	_ =	swait.ge [sflag:s14], $0x4000  }
0x1b: {  	[sflag:s14] =	ssyncset.done $0x0  }
0x1c: {  	s30 =	simm.s32 $0x100;
	[sflag:s14] =	ssyncadd.s32 $0xFFFFC000  }
0x1d: {  	[tilespmem:s10], [sflag:$0x1] =	stream.indirect.gather [hbm4b:s3+s11], $0x80, s30, s11, $0xb8;
	[tilespmem:$0x9000] =	vst v63  }
0x1e: {  	_ =	swait.ge [sflag:s15], $0x4000  }
0x1f: {  	[sflag:s15] =	ssyncset.done $0x0  }
0x20: {  	s31 =	sadd.s32 $0x0, s8;
	[sflag:s15] =	ssyncadd.s32 $0xFFFFC000  }
0x21: {  	[hbm4b:s31+s2] =	stream.linear.scatter [tilespmem:s12], [sflag:$0x3], $0x4000, $0x38;
	[tilespmem:$0x9000] =	vst v63  }
0x22: {  	_ =	swait.ge [sflag:s9], $0x4000  }
0x23: {  	s18 =	simm.s32 $0x80;
	s17 =	simm.s32 $0x1000;
	[sflag:s9] =	ssyncset.done $0x0  }
.LBB2_2:
0x24: {  	p0 =	sne.s32 s17, $0xB000;
	[sflag:s9] =	ssyncadd.s32 $0xFFFFC000;
	s18 =	sadd.s32 $0x100, s18  }
0x25: {  	[tilespmem:s12], [sflag:$0x2] =	stream.indirect.gather [hbm4b:s3+s11], $0x80, s18, s11, $0xb8;
	[tilespmem:$0x9000] =	vst v63  }
0x26: {  	s19 =	smov.u32 s17;
	s17 =	sadd.s32 $0x1000, s17;
	_ =	swait.ge [sflag:s13], $0x4000  }
0x27: {  	[sflag:s13] =	ssyncset.done $0x0  }
0x28: {  	s20 =	sadd.s32 s19, s7;
	[sflag:s13] =	ssyncadd.s32 $0xFFFFC000  }
0x29: {  	[hbm4b:s20+s2] =	stream.linear.scatter [tilespmem:s10], [sflag:$0x4], $0x4000, $0x38;
	[tilespmem:$0x9000] =	vst v63  }
0x2a: {  	_ =	swait.ge [sflag:s14], $0x4000  }
0x2b: {  	[sflag:s14] =	ssyncset.done $0x0  }
0x2c: {  	s20 =	sadd.s32 $0x80, s18;
	[sflag:s14] =	ssyncadd.s32 $0xFFFFC000  }
0x2d: {  	[tilespmem:s10], [sflag:$0x1] =	stream.indirect.gather [hbm4b:s3+s11], $0x80, s20, s11, $0xb8;
	[tilespmem:$0x9000] =	vst v63  }
0x2e: {  	_ =	swait.ge [sflag:s15], $0x4000  }
.Ltmp0:
0x2f: {  	[sflag:s15] =	ssyncset.done $0x0;
	(pc) =	sbr.rel @p0 .LBB2_2-.Ltmp0, $4  }
0x30: {  	s19 =	sadd.s32 s19, s8;
	[sflag:s15] =	ssyncadd.s32 $0xFFFFC000  }
0x31: {  	[hbm4b:s19+s2] =	stream.linear.scatter [tilespmem:s12], [sflag:$0x3], $0x4000, $0x38;
	[tilespmem:$0x9000] =	vst v63  }
0x32: {  	_ =	swait.ge [sflag:s9], $0x4000  }
0x33: {  	[sflag:s9] =	ssyncset.done $0x0  }
0x34: {  	[sflag:s9] =	ssyncadd.s32 $0xFFFFC000  }
0x35: {  	s16 =	sadd.s32 $0x1, s16;
	_ =	swait.ge [sflag:s13], $0x4000  }
0x36: {  	p0 =	sne.s32 s16, s5;
	[sflag:s13] =	ssyncset.done $0x0  }
.Ltmp1:
0x37: {  	[sflag:s13] =	ssyncadd.s32 $0xFFFFC000;
	(pc) =	sbr.rel @p0 .LBB2_1-.Ltmp1, $4  }
0x38: {  	[hbm4b:s6+s2] =	stream.linear.scatter [tilespmem:s10], [sflag:$0x4], $0x4000, $0x38;
	[tilespmem:$0x9000] =	vst v63  }
0x39: {  	_ =	swait.ge [sflag:s14], $0x4000  }
0x3a: {  	[sflag:s14] =	ssyncset.done $0x0  }
0x3b: {  	[sflag:s14] =	ssyncadd.s32 $0xFFFFC000  }
0x3c: {  	_ =	sfence.sel $0x180000  }
0x3d: {  	[bflag:$0x0] =	sbarrier.arrive $0xFFFF  }
0x3e: {  	p0 =	sne.s32 s1, $0x0;
	_ =	strace $0x9000004A  }
0x3f: {  	s0 =	sadd.s32 @!p0 $0x100000, s0;
	[bflag:$0x2] =	sbarrier.arrive $0xFFFF  }
0x40: {  	[sflag:s0] =	ssyncadd.tile.s32 @!p0 $0x1;
	_ =	shalt  }
.Lfunc_end2:
_tile_overlayer_lowered:
.L_overlay_start_2:
0x41: {  	(tag) =	ssettag $0x2  }
0x42: {  	s0 =	rddreg [dreg:$0x0];
	s2 =	stileid.u32  }
0x43: {  	s1 =	rddreg [dreg:$0x1];
	p0 =	sne.s32 s2, $0x0  }
0x44: {  	s3 =	rddreg [dreg:$0x2];
	[bflag:$0x3] =	sbarrier.arrive $0xFFFF;
	s2 =	simm.s32 @!p0 $0x1C03  }
0x45: {  	[timem:s3], [sflag:s2] =	dma.local @!p0 [hbm:s0], s1  }
0x46: {  	s0 =	simm.s32 @!p0 $0x3  }
0x47: {  	_ =	swait.ge @!p0 [sflag:s0], s1  }
0x48: {  	s1 =	ssub.s32 @!p0 $0x0, s1;
	[sflag:s0] =	ssyncset.done @!p0 $0x0  }
0x49: {  	[sflag:s0] =	ssyncadd.s32 @!p0 s1  }
0x4a: {  	[bflag:$0x3] =	sbarrier.arrive $0xFFFF  }
0x4b: {  	_ =	shalt  }

// kernel: kernel.16.cloned.1.call-start
scs
__scs_entry_jumppad:
0x0: {  	(pc) =	sbr.rel $0x88, $3  }
0x1: {  	(tag) =	ssettag $0x0;
	lr =	simm.s32 $0x1  }
0x2: {  	[smem:$0x3F97] =	sst lr;
	_ =	strace $0xD0000000  }
0x3: {  	_ = 	snop  }
0x4: {  	_ = 	snop  }
0x5: {  	_ = 	snop  }
0x6: {  	_ = 	snop  }
0x7: {  	_ = 	snop  }
__scs_overlays_trampoline_lowered:
0x8: {  	[smem:$0x3FA6] =	sst s0  }
0x9: {  	[smem:$0x3FA7] =	sst s1  }
0xa: {  	[smem:$0x3FA8] =	sst s2  }
0xb: {  	[smem:$0x3FA9] =	sst s3  }
0xc: {  	[smem:$0x3FAA] =	sst s4  }
0xd: {  	[smem:$0x3FAB] =	sst s5  }
0xe: {  	[smem:$0x3FAC] =	sst s6  }
0xf: {  	[smem:$0x3FAD] =	sst s7  }
0x10: {  	[smem:$0x3FAE] =	sst s8  }
0x11: {  	[smem:$0x3FAF] =	sst s9;
	s0 =	simm.s32 @!p0 $0x0  }
0x12: {  	s1 =	sld [smem:$0x3F95];
	s0 =	simm.s32 @p0 $0x1  }
0x13: {  	[smem:$0x3FB0] =	sst s0;
	s0 =	simm.s32 @!p1 $0x0  }
0x14: {  	s2 =	sld [smem:$0x3F94];
	s0 =	simm.s32 @p1 $0x1  }
0x15: {  	[smem:$0x3FB1] =	sst s0;
	s0 =	simm.s32 @!p2 $0x0  }
0x16: {  	s3 =	sld [smem:$0x3FDB];
	s0 =	simm.s32 @p2 $0x1  }
0x17: {  	s4 =	simm.s32 $0x1BF5;
	[smem:$0x3FB3] =	sst s0  }
0x18: {  	s0 =	sld [smem:$0x3F96];
	_ =	swait.ge [sflag:s4], $0x0  }
0x19: {  	s7 =	sld [smem:$0x3F97]  }
0x1a: {  	s8 =	sadd.s32 $0xFFFFE003, lr  }
0x1b: {  	s9 =	sadd.s32 $0xFFFFFEF7, lr;
	s5 =	simm.s32 $0xFFFFFFFF;
	p2 =	slt.u32 s8, $0xFFFFF086  }
0x1c: {  	p1 =	slt.u32 s9, $0xF7A;
	s5 =	simm.s32 @!p2 $0x0  }
0x1d: {  	s5 =	simm.s32 @p1 $0x1;
	p0 =	seq.s32 s7, s2  }
0x1e: {  	s7 =	smul.u32 @!p0 $0xF7A, s2;
	p2 =	seq.s32 @!p0 s5, $0x0  }
0x1f: {  	s9 =	smul.u32 $0xF7A, s1;
	s8 =	simm.s32 @!p0 $0x1BF5;
	p2 =	por !p2, p0  }
0x20: {  	[sflag:s8] =	ssyncset.s32 @!p0 $0xFFFFF086;
	s6 =	sadd.s32 @!p0 s3, s7;
	s7 =	simm.s32 @!p0 $0x108  }
0x21: {  	s3 =	sadd.s32 s3, s9;
	s6 =	sadd.s32 @!p0 $0x88, s6;
	s7 =	simm.s32 @p2 $0x1082  }
0x22: {  	[simem:s7], [sflag:s8] =	dma.local @!p0 [hbm:s6], $0xF7A  }
0x23: {  	s9 =	sor.u32 $0xD0000000, s2;
	s6 =	simm.s32 $0x108;
	_ =	swait.ge @!p0 [sflag:s8], $0x0  }
0x24: {  	s3 =	sadd.s32 $0x88, s3;
	s6 =	simm.s32 @!p1 $0x1082;
	[sflag:s4] =	ssyncset.s32 $0xFFFFF086  }
0x25: {  	[simem:s6], [sflag:s4] =	dma.local [hbm:s3], $0xF7A  }
0x26: {  	[smem:$0x3F97] =	sst s1;
	(tag) =	ssettag s2;
	_ =	strace s9  }
0x27: {  	s1 =	sld [smem:$0x3FA7]  }
0x28: {  	s2 =	sld [smem:$0x3FA8]  }
0x29: {  	s4 =	sld [smem:$0x3FAA]  }
0x2a: {  	p0 =	seq.s32 s5, $0x0;
	s5 =	sld [smem:$0x3FAB]  }
0x2b: {  	s6 =	sld [smem:$0x3FAC]  }
0x2c: {  	s7 =	sld [smem:$0x3FAD]  }
0x2d: {  	s3 =	simm.s32 $0x108;
	s8 =	sld [smem:$0x3FAE]  }
0x2e: {  	s3 =	simm.s32 @!p0 $0x1082;
	s9 =	sld [smem:$0x3FAF]  }
0x2f: {  	lr =	sadd.s32 s0, s3;
	s0 =	sld [smem:$0x3FA6]  }
0x30: {  	s3 =	sld [smem:$0x3FA9]  }
0x31: {  	[smem:$0x3FB2] =	sst s10  }
0x32: {  	s10 =	sld [smem:$0x3FB0];
	_ =	sdelay $0x3  }
0x33: {  	p0 =	seq.s32 s10, $0x1;
	s10 =	sld [smem:$0x3FB2];
	_ =	sdelay $0x3  }
0x34: {  	[smem:$0x3FB2] =	sst s10  }
0x35: {  	s10 =	sld [smem:$0x3FB1];
	_ =	sdelay $0x3  }
0x36: {  	p1 =	seq.s32 s10, $0x1;
	s10 =	sld [smem:$0x3FB2];
	_ =	sdelay $0x3  }
0x37: {  	[smem:$0x3FB2] =	sst s10  }
0x38: {  	s10 =	sld [smem:$0x3FB3]  }
0x39: {  	_ = 	snop;
	(pc) =	sbr.ind lr, $3  }
0x3a: {  	_ = 	snop  }
0x3b: {  	_ = 	snop  }
0x3c: {  	p2 =	seq.s32 s10, $0x1;
	s10 =	sld [smem:$0x3FB2]  }
0x3d: {  	_ =	shalt  }
0x3e: {  	_ =	shalt  }
0x3f: {  	_ =	shalt  }
0x40: {  	_ =	shalt  }
0x41: {  	_ =	shalt  }
0x42: {  	_ =	shalt  }
0x43: {  	_ =	shalt  }
0x44: {  	_ =	shalt  }
0x45: {  	_ =	shalt  }
0x46: {  	_ =	shalt  }
0x47: {  	_ =	shalt  }
0x48: {  	_ =	shalt  }
0x49: {  	_ =	shalt  }
0x4a: {  	_ =	shalt  }
0x4b: {  	_ =	shalt  }
0x4c: {  	_ =	shalt  }
0x4d: {  	_ =	shalt  }
0x4e: {  	_ =	shalt  }
0x4f: {  	_ =	shalt  }
0x50: {  	_ =	shalt  }
0x51: {  	_ =	shalt  }
0x52: {  	_ =	shalt  }
0x53: {  	_ =	shalt  }
0x54: {  	_ =	shalt  }
0x55: {  	_ =	shalt  }
0x56: {  	_ =	shalt  }
0x57: {  	_ =	shalt  }
0x58: {  	_ =	shalt  }
0x59: {  	_ =	shalt  }
0x5a: {  	_ =	shalt  }
0x5b: {  	_ =	shalt  }
0x5c: {  	_ =	shalt  }
0x5d: {  	_ =	shalt  }
0x5e: {  	_ =	shalt  }
0x5f: {  	_ =	shalt  }
0x60: {  	_ =	shalt  }
0x61: {  	_ =	shalt  }
0x62: {  	_ =	shalt  }
0x63: {  	_ =	shalt  }
0x64: {  	_ =	shalt  }
0x65: {  	_ =	shalt  }
0x66: {  	_ =	shalt  }
0x67: {  	_ =	shalt  }
0x68: {  	_ =	shalt  }
0x69: {  	_ =	shalt  }
0x6a: {  	_ =	shalt  }
0x6b: {  	_ =	shalt  }
0x6c: {  	_ =	shalt  }
0x6d: {  	_ =	shalt  }
0x6e: {  	_ =	shalt  }
0x6f: {  	_ =	shalt  }
0x70: {  	_ =	shalt  }
0x71: {  	_ =	shalt  }
0x72: {  	_ =	shalt  }
0x73: {  	_ =	shalt  }
0x74: {  	_ =	shalt  }
0x75: {  	_ =	shalt  }
0x76: {  	_ =	shalt  }
0x77: {  	_ =	shalt  }
0x78: {  	_ =	shalt  }
0x79: {  	_ =	shalt  }
0x7a: {  	_ =	shalt  }
0x7b: {  	_ =	shalt  }
0x7c: {  	_ =	shalt  }
0x7d: {  	_ =	shalt  }
0x7e: {  	_ =	shalt  }
0x7f: {  	_ =	shalt  }
0x80: {  	_ =	shalt  }
0x81: {  	_ =	shalt  }
0x82: {  	_ =	shalt  }
0x83: {  	_ =	shalt  }
0x84: {  	_ =	shalt  }
0x85: {  	_ =	shalt  }
0x86: {  	_ =	shalt  }
0x87: {  	_ =	shalt  }
.Lfunc_end0:
.L_simem_size_0:
called_computation.2_lowered:
.L_overlay_start_0:
0x88: {  	s2 =	sld [smem:$0x3FD9]  }
0x89: {  	s3 =	sld [smem:$0x3FFE];
	_ =	sdelay $0x1  }
0x8a: {  	s1 =	srdreg.scid  }
0x8b: {  	s0 =	sand.u32 $0x1, s1  }
0x8c: {  	s17 =	sshll.u32 s0, $0xA;
	s2 =	sadd.s32 s3, s2  }
0x8d: {  	s2 =	sadd.s32 s2, s17  }
0x8e: {  	[smem:$0x3FBE] =	sst s2  }
0x8f: {  	_ = 	snop  }
0x90: {  	(tm) =	ssettm $0x1  }
0x91: {  	s18 =	sld [smem:$0x3FFB];
	_ =	sdelay $0x3  }
0x92: {  	_ =	strace s18  }
0x93: {  	s2 =	sld [smem:$0x3FFC];
	_ =	sdelay $0x3  }
0x94: {  	_ =	strace s2  }
0x95: {  	s2 =	sld [smem:$0x3FFD];
	_ =	sdelay $0x3  }
0x96: {  	_ =	strace s2  }
0x97: {  	_ =	strace $0x8FFFFFFF  }
0x98: {  	s19 =	sld [smem:$0x3FDB];
	_ =	sdelay $0x1  }
0x99: {  	s20 =	simm.s32 $_scs_section_size  }
0x9a: {  	s4 =	simm.s32 $_size__tile_overlayer_lowered;
	s5 =	simm.s32 $_tile_overlayer_lowered  }
0x9b: {  	s6 =	simm.s32 $0x1BFF;
	s21 =	sshll.u32 s5, $0x1;
	s3 =	sadd.s32 s20, s19  }
0x9c: {  	s22 =	simm.s32 $0x0;
	s4 =	sshll.u32 s4, $0x1;
	s5 =	sadd.s32 s21, s3  }
0x9d: {  	[timem:s22], [sflag:s6] =	dma.local [hbm:s5], s4  }
0x9e: {  	_ =	swait.ge [sflag:s6], s4  }
0x9f: {  	s4 =	ssub.s32 $0x0, s4;
	[sflag:s6] =	ssyncset.done $0x0  }
0xa0: {  	[sflag:s6] =	ssyncadd.s32 s4;
	_ =	sdelay $0x1  }
0xa1: {  	s23 =	simm.s32 $0x1B8B  }
0xa2: {  	_ =	swait.ge [sflag:s23], $0x1  }
0xa3: {  	[sflag:s23] =	ssyncset.done $0x0  }
0xa4: {  	[sflag:s23] =	ssyncadd.s32 $0xFFFFFFFF  }
0xa5: {  	s4 =	sld [smem:$0x0]  }
0xa6: {  	s5 =	sand.u32 $0xFFFFFFFE, s1  }
0xa7: {  	p0 =	sne.s32 s1, s5  }
0xa8: {  	s5 =	sshll.u32 @p0 s5, $0xE  }
0xa9: {  	s5 =	sadd.s32 @p0 $0x11B8D, s5;
	s6 =	sshll.u32 @p0 s4, $0x11  }
0xaa: {  	s5 =	sor.u32 @p0 s6, s5  }
0xab: {  	[sflag:s5] =	ssyncadd.remote.s32 @p0 $0x1;
	_ =	sdelay $0x1  }
0xac: {  	s5 =	simm.s32 @p0 $0x1B8D  }
0xad: {  	_ =	swait.eq @p0 [sflag:s5], $0x1  }
0xae: {  	[sflag:s5] =	ssyncadd.s32 @p0 $0xFFFFFFFF  }
0xaf: {  	s6 =	sshll.u32 @!p0 s1, $0xE  }
0xb0: {  	s6 =	sor.u32 @!p0 $0x4000, s6;
	s5 =	simm.s32 @!p0 $0x1B8D  }
0xb1: {  	s4 =	sshll.u32 @!p0 s4, $0x11;
	s6 =	sadd.s32 @!p0 $0x11B8D, s6;
	_ =	swait.eq @!p0 [sflag:s5], $0x1  }
0xb2: {  	s4 =	sor.u32 @!p0 s4, s6;
	[sflag:s5] =	ssyncadd.s32 @!p0 $0xFFFFFFFF  }
0xb3: {  	s25 =	simm.s32 $0x1B8E;
	s24 =	sld [smem:$0x3FFE];
	[sflag:s4] =	ssyncadd.remote.s32 @!p0 $0x1  }
0xb4: {  	s26 =	simm.s32 $execute0_lowered;
	[smem:$0x3FD2] =	sst s25  }
0xb5: {  	s5 =	sshll.u32 s26, $0x1;
	_ =	strace $0x8000004C;
	[dreg:$0x1] =	wrdreg $0xFFFFFFFF  }
0xb6: {  	s28 =	simm.s32 $_size_execute0_lowered;
	s3 =	sadd.s32 s3, s5;
	[dreg:$0x0] =	wrdreg $0x0  }
0xb7: {  	s5 =	sshll.u32 s28, $0x1;
	[dreg:$0x2] =	wrdreg s3  }
0xb8: {  	[dreg:$0x3] =	wrdreg s5  }
0xb9: {  	[dreg:$0x4] =	wrdreg $0xC0  }
0xba: {  	_ =	task [dreg:s22], $0x5FFFF  }
0xbb: {  	[dreg:$0x1] =	wrdreg $0xFFFFFFFF  }
0xbc: {  	[dreg:$0x0] =	wrdreg $0x60  }
0xbd: {  	[dreg:$0x2] =	wrdreg s24  }
0xbe: {  	[dreg:$0x3] =	wrdreg $0xB  }
0xbf: {  	_ =	task.clear_ibuf [dreg:s22], $0x4FFFF;
	_ =	strace $0x9000004C  }
0xc0: {  	s29 =	simm.s32 $0xB;
	_ =	strace $0x8000004E  }
0xc1: {  	_ =	swait.ge [sflag:s29], $0x1  }
0xc2: {  	[sflag:s29] =	ssyncadd.s32 $0xFFFFFFFF  }
0xc3: {  	_ =	strace $0x9000004E  }
0xc4: {  	_ =	sfence  }
0xc5: {  	s30 =	sld [smem:$0x0];
	_ =	sdelay $0x2  }
0xc6: {  	s31 =	sshll.u32 s1, $0xD;
	s1 =	sshrl.u32 s1, $0x2  }
0xc7: {  	s4 =	sand.u32 $0x4000, s31;
	s1 =	sadd.s32 s1, s30  }
0xc8: {  	s0 =	sor.u32 s4, s0;
	s1 =	sshll.u32 s1, $0x11  }
0xc9: {  	s0 =	sor.u32 s1, s0  }
0xca: {  	s0 =	sadd.s32 $0x8F2B, s0  }
0xcb: {  	[sflag:s0] =	ssyncadd.remote.s32 $0x1  }
0xcc: {  	_ =	sfence.sel $0xFFFF  }
0xcd: {  	[dreg:$0x0] =	wrdreg $0xFFFFFFFF;
	(pc) =	sbr.abs _section_cstart, $3  }
0xce: {  	[dreg:$0x1] =	wrdreg $0xFFFFFFFF  }
0xcf: {  	_ =	task.clear_ibuf [dreg:s22], $0x2FFFF;
	_ =	strace $0x9FFFFFFF  }
0xd0: {  	(tm) =	ssettm $0x7FFFFFFF  }
0xd1: {  	_ =	shalt  }
tec
execute0_lowered:
.L_overlay_start_1:
0x0: {  	(tag) =	ssettag $0x1  }
0x1: {  	s4 =	rddreg [dreg:$0x0]  }
0x2: {  	s0 =	rddreg [dreg:$0x1];
	s3 =	srdreg.scid  }
0x3: {  	s1 =	stileid.u32;
	s2 =	simm.s32 $0x0;
	s13 =	simm.s32 $0x1  }
0x4: {  	s14 =	simm.s32 $0x4;
	s15 =	simm.s32 $0x2;
	s16 =	simm.s32 $0x0  }
0x5: {  	s5 =	sand.u32 $0x1, s3;
	s25 =	sshll.u32 s1, $0x1;
	[smem:$0x7FF] =	sst s2  }
0x6: {  	s3 =	sadd.s32 $0x12800, s4;
	s9 =	smul.u32 $0xC8000, s1;
	s12 =	sadd.s32 $0x4B9200, s4  }
0x7: {  	s6 =	sor.u32 s5, s25;
	s8 =	ssub.s32 $0x2, s5;
	s11 =	smul.u32 $0x64000, s5  }
0x8: {  	s7 =	smul.u32 $0x64000, s6;
	s6 =	sshll.u32 s6, $0x9;
	s10 =	sshrl.u32 s8, $0x1  }
0x9: {  	_ =	strace $0x8000004D;
	s6 =	sadd.s32 s6, s4;
	s26 =	ssub.s32 s8, s10  }
0xa: {  	s29 =	sadd.s32 s11, s9;
	s10 =	simm.s32 $0x1000;
	s11 =	simm.s32 $0x80  }
0xb: {  	s4 =	sadd.s32 $0x6800, s6;
	s5 =	smax.u32 s26, $0x1;
	s28 =	sshrl.u32 s7, $0x3  }
0xc: {  	s30 =	sshrl.u32 s29, $0x3;
	s9 =	sadd.s32 $0x4000, s29;
	s6 =	sadd.s32 s12, s28  }
0xd: {  	s7 =	sadd.s32 s30, s12;
	s31 =	sshrl.u32 s9, $0x3;
	s9 =	simm.s32 $0x3  }
0xe: {  	s6 =	sadd.s32 $0xC000, s6;
	s8 =	sadd.s32 s31, s12;
	s12 =	simm.s32 $0x5000  }
.LBB2_1:
0xf: {  	[tilespmem:s2], [sflag:$0x3] =	stream.linear.gather [hbm4b:s4+s2], $0xC80, $0x38;
	[tilespmem:$0x9000] =	vst v63  }
0x10: {  	_ =	swait.ge [sflag:s9], $0xC80  }
0x11: {  	[sflag:s9] =	ssyncset.done $0x0  }
0x12: {  	[sflag:s9] =	ssyncadd.s32 $0xFFFFF380  }
0x13: {  	[tilespmem:s10], [sflag:$0x1] =	stream.indirect.gather [hbm4b:s3+s11], $0x80, s2, s11, $0xb8;
	[tilespmem:$0x9000] =	vst v63  }
0x14: {  	_ = 	snop  }
0x15: {  	[tilespmem:s12], [sflag:$0x2] =	stream.indirect.gather [hbm4b:s3+s11], $0x80, s11, s11, $0xb8;
	[tilespmem:$0x9000] =	vst v63  }
0x16: {  	_ =	swait.ge [sflag:s13], $0x4000  }
0x17: {  	[sflag:s13] =	ssyncset.done $0x0  }
0x18: {  	s17 =	sadd.s32 $0x0, s7;
	[sflag:s13] =	ssyncadd.s32 $0xFFFFC000  }
0x19: {  	[hbm4b:s17+s2] =	stream.linear.scatter [tilespmem:s10], [sflag:$0x4], $0x4000, $0x38;
	[tilespmem:$0x9000] =	vst v63  }
0x1a: {  	_ =	swait.ge [sflag:s14], $0x4000  }
0x1b: {  	[sflag:s14] =	ssyncset.done $0x0  }
0x1c: {  	s30 =	simm.s32 $0x100;
	[sflag:s14] =	ssyncadd.s32 $0xFFFFC000  }
0x1d: {  	[tilespmem:s10], [sflag:$0x1] =	stream.indirect.gather [hbm4b:s3+s11], $0x80, s30, s11, $0xb8;
	[tilespmem:$0x9000] =	vst v63  }
0x1e: {  	_ =	swait.ge [sflag:s15], $0x4000  }
0x1f: {  	[sflag:s15] =	ssyncset.done $0x0  }
0x20: {  	s31 =	sadd.s32 $0x0, s8;
	[sflag:s15] =	ssyncadd.s32 $0xFFFFC000  }
0x21: {  	[hbm4b:s31+s2] =	stream.linear.scatter [tilespmem:s12], [sflag:$0x3], $0x4000, $0x38;
	[tilespmem:$0x9000] =	vst v63  }
0x22: {  	_ =	swait.ge [sflag:s9], $0x4000  }
0x23: {  	s18 =	simm.s32 $0x80;
	s17 =	simm.s32 $0x1000;
	[sflag:s9] =	ssyncset.done $0x0  }
.LBB2_2:
0x24: {  	p0 =	sne.s32 s17, $0xB000;
	[sflag:s9] =	ssyncadd.s32 $0xFFFFC000;
	s18 =	sadd.s32 $0x100, s18  }
0x25: {  	[tilespmem:s12], [sflag:$0x2] =	stream.indirect.gather [hbm4b:s3+s11], $0x80, s18, s11, $0xb8;
	[tilespmem:$0x9000] =	vst v63  }
0x26: {  	s19 =	smov.u32 s17;
	s17 =	sadd.s32 $0x1000, s17;
	_ =	swait.ge [sflag:s13], $0x4000  }
0x27: {  	[sflag:s13] =	ssyncset.done $0x0  }
0x28: {  	s20 =	sadd.s32 s19, s7;
	[sflag:s13] =	ssyncadd.s32 $0xFFFFC000  }
0x29: {  	[hbm4b:s20+s2] =	stream.linear.scatter [tilespmem:s10], [sflag:$0x4], $0x4000, $0x38;
	[tilespmem:$0x9000] =	vst v63  }
0x2a: {  	_ =	swait.ge [sflag:s14], $0x4000  }
0x2b: {  	[sflag:s14] =	ssyncset.done $0x0  }
0x2c: {  	s20 =	sadd.s32 $0x80, s18;
	[sflag:s14] =	ssyncadd.s32 $0xFFFFC000  }
0x2d: {  	[tilespmem:s10], [sflag:$0x1] =	stream.indirect.gather [hbm4b:s3+s11], $0x80, s20, s11, $0xb8;
	[tilespmem:$0x9000] =	vst v63  }
0x2e: {  	_ =	swait.ge [sflag:s15], $0x4000  }
.Ltmp0:
0x2f: {  	[sflag:s15] =	ssyncset.done $0x0;
	(pc) =	sbr.rel @p0 .LBB2_2-.Ltmp0, $4  }
0x30: {  	s19 =	sadd.s32 s19, s8;
	[sflag:s15] =	ssyncadd.s32 $0xFFFFC000  }
0x31: {  	[hbm4b:s19+s2] =	stream.linear.scatter [tilespmem:s12], [sflag:$0x3], $0x4000, $0x38;
	[tilespmem:$0x9000] =	vst v63  }
0x32: {  	_ =	swait.ge [sflag:s9], $0x4000  }
0x33: {  	[sflag:s9] =	ssyncset.done $0x0  }
0x34: {  	[sflag:s9] =	ssyncadd.s32 $0xFFFFC000  }
0x35: {  	s16 =	sadd.s32 $0x1, s16;
	_ =	swait.ge [sflag:s13], $0x4000  }
0x36: {  	p0 =	sne.s32 s16, s5;
	[sflag:s13] =	ssyncset.done $0x0  }
.Ltmp1:
0x37: {  	[sflag:s13] =	ssyncadd.s32 $0xFFFFC000;
	(pc) =	sbr.rel @p0 .LBB2_1-.Ltmp1, $4  }
0x38: {  	[hbm4b:s6+s2] =	stream.linear.scatter [tilespmem:s10], [sflag:$0x4], $0x4000, $0x38;
	[tilespmem:$0x9000] =	vst v63  }
0x39: {  	_ =	swait.ge [sflag:s14], $0x4000  }
0x3a: {  	[sflag:s14] =	ssyncset.done $0x0  }
0x3b: {  	[sflag:s14] =	ssyncadd.s32 $0xFFFFC000  }
0x3c: {  	_ =	sfence.sel $0x180000  }
0x3d: {  	[bflag:$0x0] =	sbarrier.arrive $0xFFFF  }
0x3e: {  	p0 =	sne.s32 s1, $0x0;
	_ =	strace $0x9000004D  }
0x3f: {  	s0 =	sadd.s32 @!p0 $0x100000, s0;
	[bflag:$0x2] =	sbarrier.arrive $0xFFFF  }
0x40: {  	[sflag:s0] =	ssyncadd.tile.s32 @!p0 $0x1;
	_ =	shalt  }
.Lfunc_end2:
_tile_overlayer_lowered:
.L_overlay_start_2:
0x41: {  	(tag) =	ssettag $0x2  }
0x42: {  	s0 =	rddreg [dreg:$0x0];
	s2 =	stileid.u32  }
0x43: {  	s1 =	rddreg [dreg:$0x1];
	p0 =	sne.s32 s2, $0x0  }
0x44: {  	s3 =	rddreg [dreg:$0x2];
	[bflag:$0x3] =	sbarrier.arrive $0xFFFF;
	s2 =	simm.s32 @!p0 $0x1C03  }
0x45: {  	[timem:s3], [sflag:s2] =	dma.local @!p0 [hbm:s0], s1  }
0x46: {  	s0 =	simm.s32 @!p0 $0x3  }
0x47: {  	_ =	swait.ge @!p0 [sflag:s0], s1  }
0x48: {  	s1 =	ssub.s32 @!p0 $0x0, s1;
	[sflag:s0] =	ssyncset.done @!p0 $0x0  }
0x49: {  	[sflag:s0] =	ssyncadd.s32 @!p0 s1  }
0x4a: {  	[bflag:$0x3] =	sbarrier.arrive $0xFFFF  }
0x4b: {  	_ =	shalt  }

// kernel: kernel.19.cloned.1.call-start
scs
__scs_entry_jumppad:
0x0: {  	(pc) =	sbr.rel $0x88, $3  }
0x1: {  	(tag) =	ssettag $0x0;
	lr =	simm.s32 $0x1  }
0x2: {  	[smem:$0x3F97] =	sst lr;
	_ =	strace $0xD0000000  }
0x3: {  	_ = 	snop  }
0x4: {  	_ = 	snop  }
0x5: {  	_ = 	snop  }
0x6: {  	_ = 	snop  }
0x7: {  	_ = 	snop  }
__scs_overlays_trampoline_lowered:
0x8: {  	[smem:$0x3FA6] =	sst s0  }
0x9: {  	[smem:$0x3FA7] =	sst s1  }
0xa: {  	[smem:$0x3FA8] =	sst s2  }
0xb: {  	[smem:$0x3FA9] =	sst s3  }
0xc: {  	[smem:$0x3FAA] =	sst s4  }
0xd: {  	[smem:$0x3FAB] =	sst s5  }
0xe: {  	[smem:$0x3FAC] =	sst s6  }
0xf: {  	[smem:$0x3FAD] =	sst s7  }
0x10: {  	[smem:$0x3FAE] =	sst s8  }
0x11: {  	[smem:$0x3FAF] =	sst s9;
	s0 =	simm.s32 @!p0 $0x0  }
0x12: {  	s1 =	sld [smem:$0x3F95];
	s0 =	simm.s32 @p0 $0x1  }
0x13: {  	[smem:$0x3FB0] =	sst s0;
	s0 =	simm.s32 @!p1 $0x0  }
0x14: {  	s2 =	sld [smem:$0x3F94];
	s0 =	simm.s32 @p1 $0x1  }
0x15: {  	[smem:$0x3FB1] =	sst s0;
	s0 =	simm.s32 @!p2 $0x0  }
0x16: {  	s3 =	sld [smem:$0x3FDB];
	s0 =	simm.s32 @p2 $0x1  }
0x17: {  	s4 =	simm.s32 $0x1BF5;
	[smem:$0x3FB3] =	sst s0  }
0x18: {  	s0 =	sld [smem:$0x3F96];
	_ =	swait.ge [sflag:s4], $0x0  }
0x19: {  	s7 =	sld [smem:$0x3F97]  }
0x1a: {  	s8 =	sadd.s32 $0xFFFFE003, lr  }
0x1b: {  	s9 =	sadd.s32 $0xFFFFFEF7, lr;
	s5 =	simm.s32 $0xFFFFFFFF;
	p2 =	slt.u32 s8, $0xFFFFF086  }
0x1c: {  	p1 =	slt.u32 s9, $0xF7A;
	s5 =	simm.s32 @!p2 $0x0  }
0x1d: {  	s5 =	simm.s32 @p1 $0x1;
	p0 =	seq.s32 s7, s2  }
0x1e: {  	s7 =	smul.u32 @!p0 $0xF7A, s2;
	p2 =	seq.s32 @!p0 s5, $0x0  }
0x1f: {  	s9 =	smul.u32 $0xF7A, s1;
	s8 =	simm.s32 @!p0 $0x1BF5;
	p2 =	por !p2, p0  }
0x20: {  	[sflag:s8] =	ssyncset.s32 @!p0 $0xFFFFF086;
	s6 =	sadd.s32 @!p0 s3, s7;
	s7 =	simm.s32 @!p0 $0x108  }
0x21: {  	s3 =	sadd.s32 s3, s9;
	s6 =	sadd.s32 @!p0 $0x88, s6;
	s7 =	simm.s32 @p2 $0x1082  }
0x22: {  	[simem:s7], [sflag:s8] =	dma.local @!p0 [hbm:s6], $0xF7A  }
0x23: {  	s9 =	sor.u32 $0xD0000000, s2;
	s6 =	simm.s32 $0x108;
	_ =	swait.ge @!p0 [sflag:s8], $0x0  }
0x24: {  	s3 =	sadd.s32 $0x88, s3;
	s6 =	simm.s32 @!p1 $0x1082;
	[sflag:s4] =	ssyncset.s32 $0xFFFFF086  }
0x25: {  	[simem:s6], [sflag:s4] =	dma.local [hbm:s3], $0xF7A  }
0x26: {  	[smem:$0x3F97] =	sst s1;
	(tag) =	ssettag s2;
	_ =	strace s9  }
0x27: {  	s1 =	sld [smem:$0x3FA7]  }
0x28: {  	s2 =	sld [smem:$0x3FA8]  }
0x29: {  	s4 =	sld [smem:$0x3FAA]  }
0x2a: {  	p0 =	seq.s32 s5, $0x0;
	s5 =	sld [smem:$0x3FAB]  }
0x2b: {  	s6 =	sld [smem:$0x3FAC]  }
0x2c: {  	s7 =	sld [smem:$0x3FAD]  }
0x2d: {  	s3 =	simm.s32 $0x108;
	s8 =	sld [smem:$0x3FAE]  }
0x2e: {  	s3 =	simm.s32 @!p0 $0x1082;
	s9 =	sld [smem:$0x3FAF]  }
0x2f: {  	lr =	sadd.s32 s0, s3;
	s0 =	sld [smem:$0x3FA6]  }
0x30: {  	s3 =	sld [smem:$0x3FA9]  }
0x31: {  	[smem:$0x3FB2] =	sst s10  }
0x32: {  	s10 =	sld [smem:$0x3FB0];
	_ =	sdelay $0x3  }
0x33: {  	p0 =	seq.s32 s10, $0x1;
	s10 =	sld [smem:$0x3FB2];
	_ =	sdelay $0x3  }
0x34: {  	[smem:$0x3FB2] =	sst s10  }
0x35: {  	s10 =	sld [smem:$0x3FB1];
	_ =	sdelay $0x3  }
0x36: {  	p1 =	seq.s32 s10, $0x1;
	s10 =	sld [smem:$0x3FB2];
	_ =	sdelay $0x3  }
0x37: {  	[smem:$0x3FB2] =	sst s10  }
0x38: {  	s10 =	sld [smem:$0x3FB3]  }
0x39: {  	_ = 	snop;
	(pc) =	sbr.ind lr, $3  }
0x3a: {  	_ = 	snop  }
0x3b: {  	_ = 	snop  }
0x3c: {  	p2 =	seq.s32 s10, $0x1;
	s10 =	sld [smem:$0x3FB2]  }
0x3d: {  	_ =	shalt  }
0x3e: {  	_ =	shalt  }
0x3f: {  	_ =	shalt  }
0x40: {  	_ =	shalt  }
0x41: {  	_ =	shalt  }
0x42: {  	_ =	shalt  }
0x43: {  	_ =	shalt  }
0x44: {  	_ =	shalt  }
0x45: {  	_ =	shalt  }
0x46: {  	_ =	shalt  }
0x47: {  	_ =	shalt  }
0x48: {  	_ =	shalt  }
0x49: {  	_ =	shalt  }
0x4a: {  	_ =	shalt  }
0x4b: {  	_ =	shalt  }
0x4c: {  	_ =	shalt  }
0x4d: {  	_ =	shalt  }
0x4e: {  	_ =	shalt  }
0x4f: {  	_ =	shalt  }
0x50: {  	_ =	shalt  }
0x51: {  	_ =	shalt  }
0x52: {  	_ =	shalt  }
0x53: {  	_ =	shalt  }
0x54: {  	_ =	shalt  }
0x55: {  	_ =	shalt  }
0x56: {  	_ =	shalt  }
0x57: {  	_ =	shalt  }
0x58: {  	_ =	shalt  }
0x59: {  	_ =	shalt  }
0x5a: {  	_ =	shalt  }
0x5b: {  	_ =	shalt  }
0x5c: {  	_ =	shalt  }
0x5d: {  	_ =	shalt  }
0x5e: {  	_ =	shalt  }
0x5f: {  	_ =	shalt  }
0x60: {  	_ =	shalt  }
0x61: {  	_ =	shalt  }
0x62: {  	_ =	shalt  }
0x63: {  	_ =	shalt  }
0x64: {  	_ =	shalt  }
0x65: {  	_ =	shalt  }
0x66: {  	_ =	shalt  }
0x67: {  	_ =	shalt  }
0x68: {  	_ =	shalt  }
0x69: {  	_ =	shalt  }
0x6a: {  	_ =	shalt  }
0x6b: {  	_ =	shalt  }
0x6c: {  	_ =	shalt  }
0x6d: {  	_ =	shalt  }
0x6e: {  	_ =	shalt  }
0x6f: {  	_ =	shalt  }
0x70: {  	_ =	shalt  }
0x71: {  	_ =	shalt  }
0x72: {  	_ =	shalt  }
0x73: {  	_ =	shalt  }
0x74: {  	_ =	shalt  }
0x75: {  	_ =	shalt  }
0x76: {  	_ =	shalt  }
0x77: {  	_ =	shalt  }
0x78: {  	_ =	shalt  }
0x79: {  	_ =	shalt  }
0x7a: {  	_ =	shalt  }
0x7b: {  	_ =	shalt  }
0x7c: {  	_ =	shalt  }
0x7d: {  	_ =	shalt  }
0x7e: {  	_ =	shalt  }
0x7f: {  	_ =	shalt  }
0x80: {  	_ =	shalt  }
0x81: {  	_ =	shalt  }
0x82: {  	_ =	shalt  }
0x83: {  	_ =	shalt  }
0x84: {  	_ =	shalt  }
0x85: {  	_ =	shalt  }
0x86: {  	_ =	shalt  }
0x87: {  	_ =	shalt  }
.Lfunc_end0:
.L_simem_size_0:
called_computation.3_lowered:
.L_overlay_start_0:
0x88: {  	s2 =	sld [smem:$0x3FD9]  }
0x89: {  	s3 =	sld [smem:$0x3FFE];
	_ =	sdelay $0x1  }
0x8a: {  	s1 =	srdreg.scid  }
0x8b: {  	s0 =	sand.u32 $0x1, s1  }
0x8c: {  	s17 =	sshll.u32 s0, $0xA;
	s2 =	sadd.s32 s3, s2  }
0x8d: {  	s2 =	sadd.s32 s2, s17  }
0x8e: {  	[smem:$0x3FBE] =	sst s2  }
0x8f: {  	_ = 	snop  }
0x90: {  	(tm) =	ssettm $0x1  }
0x91: {  	s18 =	sld [smem:$0x3FFB];
	_ =	sdelay $0x3  }
0x92: {  	_ =	strace s18  }
0x93: {  	s2 =	sld [smem:$0x3FFC];
	_ =	sdelay $0x3  }
0x94: {  	_ =	strace s2  }
0x95: {  	s2 =	sld [smem:$0x3FFD];
	_ =	sdelay $0x3  }
0x96: {  	_ =	strace s2  }
0x97: {  	_ =	strace $0x8FFFFFFF  }
0x98: {  	s19 =	sld [smem:$0x3FDB];
	_ =	sdelay $0x1  }
0x99: {  	s20 =	simm.s32 $_scs_section_size  }
0x9a: {  	s4 =	simm.s32 $_size__tile_overlayer_lowered;
	s5 =	simm.s32 $_tile_overlayer_lowered  }
0x9b: {  	s6 =	simm.s32 $0x1BFF;
	s21 =	sshll.u32 s5, $0x1;
	s3 =	sadd.s32 s20, s19  }
0x9c: {  	s22 =	simm.s32 $0x0;
	s4 =	sshll.u32 s4, $0x1;
	s5 =	sadd.s32 s21, s3  }
0x9d: {  	[timem:s22], [sflag:s6] =	dma.local [hbm:s5], s4  }
0x9e: {  	_ =	swait.ge [sflag:s6], s4  }
0x9f: {  	s4 =	ssub.s32 $0x0, s4;
	[sflag:s6] =	ssyncset.done $0x0  }
0xa0: {  	[sflag:s6] =	ssyncadd.s32 s4;
	_ =	sdelay $0x1  }
0xa1: {  	s23 =	simm.s32 $0x1B8B  }
0xa2: {  	_ =	swait.ge [sflag:s23], $0x1  }
0xa3: {  	[sflag:s23] =	ssyncset.done $0x0  }
0xa4: {  	[sflag:s23] =	ssyncadd.s32 $0xFFFFFFFF  }
0xa5: {  	s4 =	sld [smem:$0x0]  }
0xa6: {  	s5 =	sand.u32 $0xFFFFFFFE, s1  }
0xa7: {  	p0 =	sne.s32 s1, s5  }
0xa8: {  	s5 =	sshll.u32 @p0 s5, $0xE  }
0xa9: {  	s5 =	sadd.s32 @p0 $0x11B8D, s5;
	s6 =	sshll.u32 @p0 s4, $0x11  }
0xaa: {  	s5 =	sor.u32 @p0 s6, s5  }
0xab: {  	[sflag:s5] =	ssyncadd.remote.s32 @p0 $0x1;
	_ =	sdelay $0x1  }
0xac: {  	s5 =	simm.s32 @p0 $0x1B8D  }
0xad: {  	_ =	swait.eq @p0 [sflag:s5], $0x1  }
0xae: {  	[sflag:s5] =	ssyncadd.s32 @p0 $0xFFFFFFFF  }
0xaf: {  	s6 =	sshll.u32 @!p0 s1, $0xE  }
0xb0: {  	s6 =	sor.u32 @!p0 $0x4000, s6;
	s5 =	simm.s32 @!p0 $0x1B8D  }
0xb1: {  	s4 =	sshll.u32 @!p0 s4, $0x11;
	s6 =	sadd.s32 @!p0 $0x11B8D, s6;
	_ =	swait.eq @!p0 [sflag:s5], $0x1  }
0xb2: {  	s4 =	sor.u32 @!p0 s4, s6;
	[sflag:s5] =	ssyncadd.s32 @!p0 $0xFFFFFFFF  }
0xb3: {  	s25 =	simm.s32 $0x1B8E;
	s24 =	sld [smem:$0x3FFE];
	[sflag:s4] =	ssyncadd.remote.s32 @!p0 $0x1  }
0xb4: {  	s26 =	simm.s32 $execute0_lowered;
	[smem:$0x3FD2] =	sst s25  }
0xb5: {  	s5 =	sshll.u32 s26, $0x1;
	_ =	strace $0x8000004F;
	[dreg:$0x1] =	wrdreg $0xFFFFFFFF  }
0xb6: {  	s28 =	simm.s32 $_size_execute0_lowered;
	s3 =	sadd.s32 s3, s5;
	[dreg:$0x0] =	wrdreg $0x0  }
0xb7: {  	s5 =	sshll.u32 s28, $0x1;
	[dreg:$0x2] =	wrdreg s3  }
0xb8: {  	[dreg:$0x3] =	wrdreg s5  }
0xb9: {  	[dreg:$0x4] =	wrdreg $0xC0  }
0xba: {  	_ =	task [dreg:s22], $0x5FFFF  }
0xbb: {  	[dreg:$0x1] =	wrdreg $0xFFFFFFFF  }
0xbc: {  	[dreg:$0x0] =	wrdreg $0x60  }
0xbd: {  	[dreg:$0x2] =	wrdreg s24  }
0xbe: {  	[dreg:$0x3] =	wrdreg $0xC  }
0xbf: {  	_ =	task.clear_ibuf [dreg:s22], $0x4FFFF;
	_ =	strace $0x9000004F  }
0xc0: {  	s29 =	simm.s32 $0xC;
	_ =	strace $0x80000051  }
0xc1: {  	_ =	swait.ge [sflag:s29], $0x1  }
0xc2: {  	[sflag:s29] =	ssyncadd.s32 $0xFFFFFFFF  }
0xc3: {  	_ =	strace $0x90000051  }
0xc4: {  	_ =	sfence  }
0xc5: {  	s30 =	sld [smem:$0x0];
	_ =	sdelay $0x2  }
0xc6: {  	s31 =	sshll.u32 s1, $0xD;
	s1 =	sshrl.u32 s1, $0x2  }
0xc7: {  	s4 =	sand.u32 $0x4000, s31;
	s1 =	sadd.s32 s1, s30  }
0xc8: {  	s0 =	sor.u32 s4, s0;
	s1 =	sshll.u32 s1, $0x11  }
0xc9: {  	s0 =	sor.u32 s1, s0  }
0xca: {  	s0 =	sadd.s32 $0x8F2B, s0  }
0xcb: {  	[sflag:s0] =	ssyncadd.remote.s32 $0x1  }
0xcc: {  	_ =	sfence.sel $0xFFFF  }
0xcd: {  	[dreg:$0x0] =	wrdreg $0xFFFFFFFF;
	(pc) =	sbr.abs _section_cstart, $3  }
0xce: {  	[dreg:$0x1] =	wrdreg $0xFFFFFFFF  }
0xcf: {  	_ =	task.clear_ibuf [dreg:s22], $0x2FFFF;
	_ =	strace $0x9FFFFFFF  }
0xd0: {  	(tm) =	ssettm $0x7FFFFFFF  }
0xd1: {  	_ =	shalt  }
tec
execute0_lowered:
.L_overlay_start_1:
0x0: {  	(tag) =	ssettag $0x1  }
0x1: {  	s4 =	rddreg [dreg:$0x0]  }
0x2: {  	s0 =	rddreg [dreg:$0x1];
	s3 =	srdreg.scid  }
0x3: {  	s1 =	stileid.u32;
	s2 =	simm.s32 $0x0;
	s13 =	simm.s32 $0x1  }
0x4: {  	s14 =	simm.s32 $0x4;
	s15 =	simm.s32 $0x2;
	s16 =	simm.s32 $0x0  }
0x5: {  	s5 =	sand.u32 $0x1, s3;
	s25 =	sshll.u32 s1, $0x1;
	[smem:$0x7FF] =	sst s2  }
0x6: {  	s3 =	sadd.s32 $0x12800, s4;
	s9 =	smul.u32 $0xC8000, s1;
	s12 =	sadd.s32 $0x649200, s4  }
0x7: {  	s6 =	sor.u32 s5, s25;
	s8 =	ssub.s32 $0x2, s5;
	s11 =	smul.u32 $0x64000, s5  }
0x8: {  	s7 =	smul.u32 $0x64000, s6;
	s6 =	sshll.u32 s6, $0x9;
	s10 =	sshrl.u32 s8, $0x1  }
0x9: {  	_ =	strace $0x80000050;
	s6 =	sadd.s32 s6, s4;
	s26 =	ssub.s32 s8, s10  }
0xa: {  	s29 =	sadd.s32 s11, s9;
	s10 =	simm.s32 $0x1000;
	s11 =	simm.s32 $0x80  }
0xb: {  	s4 =	sadd.s32 $0xA800, s6;
	s5 =	smax.u32 s26, $0x1;
	s28 =	sshrl.u32 s7, $0x3  }
0xc: {  	s30 =	sshrl.u32 s29, $0x3;
	s9 =	sadd.s32 $0x4000, s29;
	s6 =	sadd.s32 s12, s28  }
0xd: {  	s7 =	sadd.s32 s30, s12;
	s31 =	sshrl.u32 s9, $0x3;
	s9 =	simm.s32 $0x3  }
0xe: {  	s6 =	sadd.s32 $0xC000, s6;
	s8 =	sadd.s32 s31, s12;
	s12 =	simm.s32 $0x5000  }
.LBB2_1:
0xf: {  	[tilespmem:s2], [sflag:$0x3] =	stream.linear.gather [hbm4b:s4+s2], $0xC80, $0x38;
	[tilespmem:$0x9000] =	vst v63  }
0x10: {  	_ =	swait.ge [sflag:s9], $0xC80  }
0x11: {  	[sflag:s9] =	ssyncset.done $0x0  }
0x12: {  	[sflag:s9] =	ssyncadd.s32 $0xFFFFF380  }
0x13: {  	[tilespmem:s10], [sflag:$0x1] =	stream.indirect.gather [hbm4b:s3+s11], $0x80, s2, s11, $0xb8;
	[tilespmem:$0x9000] =	vst v63  }
0x14: {  	_ = 	snop  }
0x15: {  	[tilespmem:s12], [sflag:$0x2] =	stream.indirect.gather [hbm4b:s3+s11], $0x80, s11, s11, $0xb8;
	[tilespmem:$0x9000] =	vst v63  }
0x16: {  	_ =	swait.ge [sflag:s13], $0x4000  }
0x17: {  	[sflag:s13] =	ssyncset.done $0x0  }
0x18: {  	s17 =	sadd.s32 $0x0, s7;
	[sflag:s13] =	ssyncadd.s32 $0xFFFFC000  }
0x19: {  	[hbm4b:s17+s2] =	stream.linear.scatter [tilespmem:s10], [sflag:$0x4], $0x4000, $0x38;
	[tilespmem:$0x9000] =	vst v63  }
0x1a: {  	_ =	swait.ge [sflag:s14], $0x4000  }
0x1b: {  	[sflag:s14] =	ssyncset.done $0x0  }
0x1c: {  	s30 =	simm.s32 $0x100;
	[sflag:s14] =	ssyncadd.s32 $0xFFFFC000  }
0x1d: {  	[tilespmem:s10], [sflag:$0x1] =	stream.indirect.gather [hbm4b:s3+s11], $0x80, s30, s11, $0xb8;
	[tilespmem:$0x9000] =	vst v63  }
0x1e: {  	_ =	swait.ge [sflag:s15], $0x4000  }
0x1f: {  	[sflag:s15] =	ssyncset.done $0x0  }
0x20: {  	s31 =	sadd.s32 $0x0, s8;
	[sflag:s15] =	ssyncadd.s32 $0xFFFFC000  }
0x21: {  	[hbm4b:s31+s2] =	stream.linear.scatter [tilespmem:s12], [sflag:$0x3], $0x4000, $0x38;
	[tilespmem:$0x9000] =	vst v63  }
0x22: {  	_ =	swait.ge [sflag:s9], $0x4000  }
0x23: {  	s18 =	simm.s32 $0x80;
	s17 =	simm.s32 $0x1000;
	[sflag:s9] =	ssyncset.done $0x0  }
.LBB2_2:
0x24: {  	p0 =	sne.s32 s17, $0xB000;
	[sflag:s9] =	ssyncadd.s32 $0xFFFFC000;
	s18 =	sadd.s32 $0x100, s18  }
0x25: {  	[tilespmem:s12], [sflag:$0x2] =	stream.indirect.gather [hbm4b:s3+s11], $0x80, s18, s11, $0xb8;
	[tilespmem:$0x9000] =	vst v63  }
0x26: {  	s19 =	smov.u32 s17;
	s17 =	sadd.s32 $0x1000, s17;
	_ =	swait.ge [sflag:s13], $0x4000  }
0x27: {  	[sflag:s13] =	ssyncset.done $0x0  }
0x28: {  	s20 =	sadd.s32 s19, s7;
	[sflag:s13] =	ssyncadd.s32 $0xFFFFC000  }
0x29: {  	[hbm4b:s20+s2] =	stream.linear.scatter [tilespmem:s10], [sflag:$0x4], $0x4000, $0x38;
	[tilespmem:$0x9000] =	vst v63  }
0x2a: {  	_ =	swait.ge [sflag:s14], $0x4000  }
0x2b: {  	[sflag:s14] =	ssyncset.done $0x0  }
0x2c: {  	s20 =	sadd.s32 $0x80, s18;
	[sflag:s14] =	ssyncadd.s32 $0xFFFFC000  }
0x2d: {  	[tilespmem:s10], [sflag:$0x1] =	stream.indirect.gather [hbm4b:s3+s11], $0x80, s20, s11, $0xb8;
	[tilespmem:$0x9000] =	vst v63  }
0x2e: {  	_ =	swait.ge [sflag:s15], $0x4000  }
.Ltmp0:
0x2f: {  	[sflag:s15] =	ssyncset.done $0x0;
	(pc) =	sbr.rel @p0 .LBB2_2-.Ltmp0, $4  }
0x30: {  	s19 =	sadd.s32 s19, s8;
	[sflag:s15] =	ssyncadd.s32 $0xFFFFC000  }
0x31: {  	[hbm4b:s19+s2] =	stream.linear.scatter [tilespmem:s12], [sflag:$0x3], $0x4000, $0x38;
	[tilespmem:$0x9000] =	vst v63  }
0x32: {  	_ =	swait.ge [sflag:s9], $0x4000  }
0x33: {  	[sflag:s9] =	ssyncset.done $0x0  }
0x34: {  	[sflag:s9] =	ssyncadd.s32 $0xFFFFC000  }
0x35: {  	s16 =	sadd.s32 $0x1, s16;
	_ =	swait.ge [sflag:s13], $0x4000  }
0x36: {  	p0 =	sne.s32 s16, s5;
	[sflag:s13] =	ssyncset.done $0x0  }
.Ltmp1:
0x37: {  	[sflag:s13] =	ssyncadd.s32 $0xFFFFC000;
	(pc) =	sbr.rel @p0 .LBB2_1-.Ltmp1, $4  }
0x38: {  	[hbm4b:s6+s2] =	stream.linear.scatter [tilespmem:s10], [sflag:$0x4], $0x4000, $0x38;
	[tilespmem:$0x9000] =	vst v63  }
0x39: {  	_ =	swait.ge [sflag:s14], $0x4000  }
0x3a: {  	[sflag:s14] =	ssyncset.done $0x0  }
0x3b: {  	[sflag:s14] =	ssyncadd.s32 $0xFFFFC000  }
0x3c: {  	_ =	sfence.sel $0x180000  }
0x3d: {  	[bflag:$0x0] =	sbarrier.arrive $0xFFFF  }
0x3e: {  	p0 =	sne.s32 s1, $0x0;
	_ =	strace $0x90000050  }
0x3f: {  	s0 =	sadd.s32 @!p0 $0x100000, s0;
	[bflag:$0x2] =	sbarrier.arrive $0xFFFF  }
0x40: {  	[sflag:s0] =	ssyncadd.tile.s32 @!p0 $0x1;
	_ =	shalt  }
.Lfunc_end2:
_tile_overlayer_lowered:
.L_overlay_start_2:
0x41: {  	(tag) =	ssettag $0x2  }
0x42: {  	s0 =	rddreg [dreg:$0x0];
	s2 =	stileid.u32  }
0x43: {  	s1 =	rddreg [dreg:$0x1];
	p0 =	sne.s32 s2, $0x0  }
0x44: {  	s3 =	rddreg [dreg:$0x2];
	[bflag:$0x3] =	sbarrier.arrive $0xFFFF;
	s2 =	simm.s32 @!p0 $0x1C03  }
0x45: {  	[timem:s3], [sflag:s2] =	dma.local @!p0 [hbm:s0], s1  }
0x46: {  	s0 =	simm.s32 @!p0 $0x3  }
0x47: {  	_ =	swait.ge @!p0 [sflag:s0], s1  }
0x48: {  	s1 =	ssub.s32 @!p0 $0x0, s1;
	[sflag:s0] =	ssyncset.done @!p0 $0x0  }
0x49: {  	[sflag:s0] =	ssyncadd.s32 @!p0 s1  }
0x4a: {  	[bflag:$0x3] =	sbarrier.arrive $0xFFFF  }
0x4b: {  	_ =	shalt  }

</sc_bundles>
